<compile_context>
chip_gen: v7x
topology: tpu7x:2x2x1
jax: 0.10.2.dev20260603
libtpu: 0.0.44.dev20260713+nightly
codegen_flags: <defaults>
</compile_context>

<pallas_src>
import functools

import jax
import jax.numpy as jnp
from jax import lax
from jax.experimental import pallas as pl
from jax.experimental.pallas import tpu as pltpu
from jax.experimental.pallas import tpu_sc as plsc

N = 10000
E = 320000
D_IN = 128
D_HID = 64
D_OUT = 128

NC = 2
NS = 16
NW = NC * NS
CH = 128
N_PAD = 10240
ROWS_PER_TILE = N_PAD // NS
E_PER_TILE = 10240
NCHUNK = E_PER_TILE // CH
E_PAD = NW * E_PER_TILE
PAD_CHUNKS = (E_PAD - E) // CH
RB = 10240
GRID = N_PAD // RB


def _zero_vmem_2d(ref, nrows):
    z = jnp.zeros((16,), jnp.float32)

    def body(i, _):
        for j in range(4):
            ref[i, pl.ds(j * 16, 16)] = z
        return 0

    lax.fori_loop(0, nrows, body, 0)


def _sc_degree(src_hbm, out_hbm, src_v, ones_v, zrow_v, acc):
    cid = lax.axis_index("c")
    sid = lax.axis_index("s")
    wid = cid * NS + sid

    z = jnp.zeros((16,), jnp.float32)
    o = jnp.ones((16,), jnp.float32)

    def obody(j, _):
        ones_v[pl.ds(j * 16, 16)] = o
        return 0

    lax.fori_loop(0, CH // 16, obody, 0)

    def zbody(i, _):
        zrow_v[pl.ds(i * 16, 16)] = z
        return 0

    lax.fori_loop(0, ROWS_PER_TILE // 16, zbody, 0)
    pltpu.sync_copy(zrow_v, acc.at[pl.ds(sid * ROWS_PER_TILE, ROWS_PER_TILE)])
    plsc.subcore_barrier()

    pltpu.sync_copy(src_hbm.at[wid], src_v)

    def body(c, _):
        pltpu.sync_copy(ones_v, acc.at[src_v.at[c]], add=True)
        return 0

    nch = jnp.where(wid == NW - 1, NCHUNK - PAD_CHUNKS, NCHUNK)
    lax.fori_loop(0, nch, body, 0)
    plsc.subcore_barrier()
    pltpu.sync_copy(acc.at[pl.ds(sid * ROWS_PER_TILE, ROWS_PER_TILE)],
                    out_hbm.at[cid, pl.ds(sid * ROWS_PER_TILE, ROWS_PER_TILE)])


_SC_PARAMS = pltpu.CompilerParams(use_tc_tiling_on_sc=False)


def _degree_parts(src_resh):
    mesh = plsc.VectorSubcoreMesh(core_axis_name="c", subcore_axis_name="s")
    return pl.kernel(
        _sc_degree,
        out_type=jax.ShapeDtypeStruct((NC, N_PAD), jnp.float32),
        mesh=mesh,
        compiler_params=_SC_PARAMS,
        scratch_types=[
            pltpu.VMEM((NCHUNK, CH), jnp.int32),
            pltpu.VMEM((CH,), jnp.float32),
            pltpu.VMEM((ROWS_PER_TILE,), jnp.float32),
            pltpu.VMEM_SHARED((N_PAD,), jnp.float32),
        ],
    )(src_resh)


def _sc_edge_pass(table_hbm, src_hbm, dst_hbm, out_hbm,
                  src_v, dst_v, buf0, buf1, acc, sem0, sem1):
    cid = lax.axis_index("c")
    sid = lax.axis_index("s")
    wid = cid * NS + sid

    _zero_vmem_2d(buf0, 128)
    for k in range(ROWS_PER_TILE // 128):
        pltpu.sync_copy(buf0.at[pl.ds(0, 128)],
                        acc.at[pl.ds(sid * ROWS_PER_TILE + k * 128, 128)])
    plsc.subcore_barrier()

    pltpu.sync_copy(src_hbm.at[wid], src_v)
    pltpu.sync_copy(dst_hbm.at[wid], dst_v)

    pltpu.async_copy(table_hbm.at[src_v.at[0]], buf0, sem0)

    def body(i, _):
        c0 = 2 * i
        pltpu.async_copy(table_hbm.at[src_v.at[c0 + 1]], buf1, sem1)
        pltpu.make_async_copy(table_hbm.at[src_v.at[c0]], buf0, sem0).wait()
        pltpu.sync_copy(buf0, acc.at[dst_v.at[c0]], add=True)

        @pl.when(i < NCHUNK // 2 - 1)
        def _():
            pltpu.async_copy(table_hbm.at[src_v.at[c0 + 2]], buf0, sem0)

        pltpu.make_async_copy(table_hbm.at[src_v.at[c0 + 1]], buf1, sem1).wait()
        pltpu.sync_copy(buf1, acc.at[dst_v.at[c0 + 1]], add=True)
        return 0

    lax.fori_loop(0, NCHUNK // 2, body, 0)
    plsc.subcore_barrier()
    pltpu.sync_copy(acc.at[pl.ds(sid * ROWS_PER_TILE, ROWS_PER_TILE)],
                    out_hbm.at[cid, pl.ds(sid * ROWS_PER_TILE, ROWS_PER_TILE)])


def _edge_pass_parts(table, src_resh, dst_resh):
    mesh = plsc.VectorSubcoreMesh(core_axis_name="c", subcore_axis_name="s")
    return pl.kernel(
        _sc_edge_pass,
        out_type=jax.ShapeDtypeStruct((NC, N_PAD, D_HID), jnp.float32),
        mesh=mesh,
        compiler_params=_SC_PARAMS,
        scratch_types=[
            pltpu.VMEM((NCHUNK, CH), jnp.int32),
            pltpu.VMEM((NCHUNK, CH), jnp.int32),
            pltpu.VMEM((CH, D_HID), jnp.float32),
            pltpu.VMEM((CH, D_HID), jnp.float32),
            pltpu.VMEM_SHARED((N_PAD, D_HID), jnp.float32),
            pltpu.SemaphoreType.DMA,
            pltpu.SemaphoreType.DMA,
        ],
    )(table, src_resh, dst_resh)


def _tc_pre_body(x_ref, degp_ref, w0_ref, w1_ref, dinv_ref, u1_ref, zp_ref):
    d = degp_ref[:, 0:1] + degp_ref[:, 1:2]
    rows = (pl.program_id(0) * RB
            + lax.broadcasted_iota(jnp.int32, (RB, 1), 0))
    dinv = jnp.where((d > 0.0) & (rows < N), lax.rsqrt(jnp.maximum(d, 1e-30)), 0.0)
    dinv_ref[...] = dinv
    xb = x_ref[...]
    u1_ref[...] = jnp.dot(xb, w0_ref[...], preferred_element_type=jnp.float32)
    zp_ref[...] = jnp.dot(xb, w1_ref[...], preferred_element_type=jnp.float32) * dinv


def _tc_pre(x, deg_t, W1_0, W1_1):
    return pl.pallas_call(
        _tc_pre_body,
        grid=(GRID,),
        in_specs=[
            pl.BlockSpec((RB, D_IN), lambda i: (i, 0)),
            pl.BlockSpec((RB, NC), lambda i: (i, 0)),
            pl.BlockSpec((D_IN, D_HID), lambda i: (0, 0)),
            pl.BlockSpec((D_IN, D_HID), lambda i: (0, 0)),
        ],
        out_specs=[
            pl.BlockSpec((RB, 1), lambda i: (i, 0)),
            pl.BlockSpec((RB, D_HID), lambda i: (i, 0)),
            pl.BlockSpec((RB, D_HID), lambda i: (i, 0)),
        ],
        out_shape=[
            jax.ShapeDtypeStruct((N, 1), jnp.float32),
            jax.ShapeDtypeStruct((N, D_HID), jnp.float32),
            jax.ShapeDtypeStruct((N, D_HID), jnp.float32),
        ],
    )(x, deg_t, W1_0, W1_1)


def _tc_mid_body(u1_ref, pa_ref, pb_ref, dinv_ref, b1_ref, w_ref,
                 hp_ref, uh_ref):
    dinv = dinv_ref[...]
    h = u1_ref[...] - dinv * (pa_ref[...] + pb_ref[...]) + b1_ref[...]
    h = jnp.maximum(h, 0.0)
    hp_ref[...] = dinv * h
    uh_ref[...] = jnp.dot(h, w_ref[...], preferred_element_type=jnp.float32)


def _tc_mid(u1, pa, pb, dinv, b1, W2_0):
    return pl.pallas_call(
        _tc_mid_body,
        grid=(GRID,),
        in_specs=[
            pl.BlockSpec((RB, D_HID), lambda i: (i, 0)),
            pl.BlockSpec((RB, D_HID), lambda i: (i, 0)),
            pl.BlockSpec((RB, D_HID), lambda i: (i, 0)),
            pl.BlockSpec((RB, 1), lambda i: (i, 0)),
            pl.BlockSpec((1, D_HID), lambda i: (0, 0)),
            pl.BlockSpec((D_HID, D_OUT), lambda i: (0, 0)),
        ],
        out_specs=[
            pl.BlockSpec((RB, D_HID), lambda i: (i, 0)),
            pl.BlockSpec((RB, D_OUT), lambda i: (i, 0)),
        ],
        out_shape=[
            jax.ShapeDtypeStruct((N, D_HID), jnp.float32),
            jax.ShapeDtypeStruct((N, D_OUT), jnp.float32),
        ],
    )(u1, pa, pb, dinv, b1, W2_0)


def _tc_fin_body(uh_ref, qa_ref, qb_ref, dinv_ref, w_ref, b2_ref, out_ref):
    s = dinv_ref[...] * (qa_ref[...] + qb_ref[...])
    t = (uh_ref[...] - jnp.dot(s, w_ref[...], preferred_element_type=jnp.float32)
         + b2_ref[...])
    m = jnp.max(t, axis=1, keepdims=True)
    t = t - m
    out_ref[...] = t - jnp.log(jnp.sum(jnp.exp(t), axis=1, keepdims=True))


def _tc_fin(uh, qa, qb, dinv, W2_1, b2):
    return pl.pallas_call(
        _tc_fin_body,
        grid=(GRID,),
        in_specs=[
            pl.BlockSpec((RB, D_OUT), lambda i: (i, 0)),
            pl.BlockSpec((RB, D_HID), lambda i: (i, 0)),
            pl.BlockSpec((RB, D_HID), lambda i: (i, 0)),
            pl.BlockSpec((RB, 1), lambda i: (i, 0)),
            pl.BlockSpec((D_HID, D_OUT), lambda i: (0, 0)),
            pl.BlockSpec((1, D_OUT), lambda i: (0, 0)),
        ],
        out_specs=pl.BlockSpec((RB, D_OUT), lambda i: (i, 0)),
        out_shape=jax.ShapeDtypeStruct((N, D_OUT), jnp.float32),
    )(uh, qa, qb, dinv, W2_1, b2)


def kernel(x, edge_index, W1_0, W1_1, b1, W2_0, W2_1, b2):
    ei = edge_index.astype(jnp.int32)
    i_pad = jnp.arange(E_PAD - E, dtype=jnp.int32)
    dummy = N + i_pad % (N_PAD - N)
    pad = jnp.stack([i_pad % N, dummy])
    ei = jnp.concatenate([ei, pad], axis=1)
    src_resh = ei[0].reshape(NW, NCHUNK, CH)
    dst_resh = ei[1].reshape(NW, NCHUNK, CH)

    deg_parts = _degree_parts(src_resh)
    deg_t = deg_parts.T
    dinv, u1, zp = _tc_pre(x, deg_t, W1_0, W1_1)

    p = _edge_pass_parts(zp, src_resh, dst_resh)
    hp, uh = _tc_mid(u1, p[0], p[1], dinv, b1.reshape(1, D_HID), W2_0)

    q = _edge_pass_parts(hp, src_resh, dst_resh)
    return _tc_fin(uh, q[0], q[1], dinv, W2_1, b2.reshape(1, D_OUT))

# --- scband reference (transcript-rebuilt; emitter-appended) ---
"""Pipeline reference for scband-cheby-net-36627481101156 (READ-ONLY COPY).

The authoritative reference and input builder live on the scoring server;
editing this copy changes nothing except your own understanding.
"""

import jax, jax.numpy as jnp
import numpy as np

N_NODES = 10000
N_EDGES = 320000
D_IN = 128
D_HID = 64
D_OUT = 128


def _glorot(key, shape):
    fan_in, fan_out = shape[0], shape[1]
    limit = float(np.sqrt(6.0 / (fan_in + fan_out)))
    return jax.random.uniform(key, shape, dtype=jnp.float32, minval=-limit, maxval=limit)


def setup_inputs(seed: int = 0) -> dict:
    key = jax.random.key(seed)
    ks = jax.random.split(key, 8)
    x = jax.random.normal(ks[0], (N_NODES, D_IN), dtype=jnp.float32)
    edge_index = jax.random.randint(ks[1], (2, N_EDGES), 0, N_NODES, dtype=jnp.int64)
    # ChebConv(in=128, out=64, K=2): two weight matrices + bias
    W1_0 = _glorot(ks[2], (D_IN, D_HID))
    W1_1 = _glorot(ks[3], (D_IN, D_HID))
    b1 = jnp.zeros((D_HID,), dtype=jnp.float32)
    # ChebConv(in=64, out=128, K=2)
    W2_0 = _glorot(ks[4], (D_HID, D_OUT))
    W2_1 = _glorot(ks[5], (D_HID, D_OUT))
    b2 = jnp.zeros((D_OUT,), dtype=jnp.float32)
    return {"x": x, "edge_index": edge_index, "W1_0": W1_0, "W1_1": W1_1, "b1": b1, "W2_0": W2_0, "W2_1": W2_1, "b2": b2}


def _cheb_conv_k2(x, edge_index, W0, W1, b):
    # PyG ChebConv with K=2, normalization='sym', lambda_max=2 (default):
    # scaled Laplacian L_hat = L - I = -D^{-1/2} A D^{-1/2} (diagonal cancels to 0)
    src = edge_index[0]
    dst = edge_index[1]
    n = x.shape[0]
    w = jnp.ones((src.shape[0],), dtype=x.dtype)
    deg = jax.ops.segment_sum(w, src, num_segments=n)
    deg_inv_sqrt = jnp.where(deg > 0, deg ** -0.5, 0.0)
    norm = -deg_inv_sqrt[src] * deg_inv_sqrt[dst]
    Tx0 = x
    msg = norm[:, None] * x[src]  # gather
    Tx1 = jax.ops.segment_sum(msg, dst, num_segments=n)  # scatter-add
    return Tx0 @ W0 + Tx1 @ W1 + b


def reference(x, edge_index, W1_0, W1_1, b1, W2_0, W2_1, b2):
    h = _cheb_conv_k2(x, edge_index, W1_0, W1_1, b1)
    h = jax.nn.relu(h)
    # F.dropout(training=self.training): identity in eval mode
    out = _cheb_conv_k2(h, edge_index, W2_0, W2_1, b2)
    return jax.nn.log_softmax(out, axis=1)

if __name__ == "__main__":
    import jax
    _d = setup_inputs()
    print(jax.jit(kernel)(*tuple(_d.values())))

</pallas_src>

<mosaic_0001>
#map = affine_map<(d0, d1) -> (0, 0, 0)>
#map1 = affine_map<(d0, d1) -> (0, 0)>
module attributes {stable_mosaic.version = 14 : i64} {
  func.func @_sc_degree(%arg0: i32, %arg1: i32, %arg2: memref<32x80x128xi32, #tpu.memory_space<hbm>>, %arg3: memref<2x10240xf32, #tpu.memory_space<hbm>>, %arg4: memref<80x128xi32, #tpu.memory_space<vmem>>, %arg5: memref<128xf32, #tpu.memory_space<vmem>>, %arg6: memref<640xf32, #tpu.memory_space<vmem>>, %arg7: memref<10240xf32, #tpu.memory_space<vmem_shared>>) attributes {dimension_semantics = [#tpu.dimension_semantics<core_parallel>, #tpu.dimension_semantics<subcore_parallel>], iteration_bounds = array<i64: 2, 16>, scalar_prefetch = 0 : i64, scratch_operands = 4 : i64, tpu.core_type = #tpu.core_type<sc_vector_subcore>, window_params = [{transform_indices = #map}, {transform_indices = #map1}]} {
    %mul3A = arith.constant 16 : i32
    %mul3A_0 = arith.muli %arg0, %mul3A : i32
    %add3A = arith.addi %mul3A_0, %arg1 : i32
    %broadcast_in_dim3A = arith.constant 0.000000e+00 : f32
    %broadcast_in_dim3A_1 = vector.broadcast %broadcast_in_dim3A : f32 to vector<16xf32>
    %broadcast_in_dim3A_2 = arith.constant 1.000000e+00 : f32
    %broadcast_in_dim3A_3 = vector.broadcast %broadcast_in_dim3A_2 : f32 to vector<16xf32>
    %scan3A = arith.constant 0 : i32
    %scan3A_4 = arith.constant 0 : i32
    %scan3A_5 = arith.constant 8 : i32
    %scan3A_6 = arith.addi %scan3A_4, %scan3A_5 : i32
    %scan3A_7 = arith.constant 1 : i32
    %scan3A_8 = scf.for %scan3A_37 = %scan3A_4 to %scan3A_6 step %scan3A_7 iter_args(%scan3A_38 = %scan3A) -> (i32)  : i32 {
      %mul3A_39 = arith.constant 16 : i32
      %mul3A_40 = arith.muli %scan3A_37, %mul3A_39 : i32
      %swap3A = arith.index_cast %mul3A_40 : i32 to index
      %swap3A_41 = tpu.vector_load %arg5[%swap3A] {strides = array<i32>} : memref<128xf32, #tpu.memory_space<vmem>>, vector<16xf32>,
      %swap3A_42 = vector.shape_cast %swap3A_41 : vector<16xf32> to vector<16xf32>
      %swap3A_43 = vector.shape_cast %broadcast_in_dim3A_3 : vector<16xf32> to vector<16xf32>
      tpu.vector_store %arg5[%swap3A], %swap3A_43 {strides = array<i32>} : memref<128xf32, #tpu.memory_space<vmem>>, vector<16xf32>,
      %scan3A_44 = arith.constant 0 : i32
      scf.yield %scan3A_44 : i32
    }
    %scan3A_9 = arith.constant 8 : i32
    %scan3A_10 = arith.constant 0 : i32
    %scan3A_11 = arith.constant 0 : i32
    %scan3A_12 = arith.constant 40 : i32
    %scan3A_13 = arith.addi %scan3A_11, %scan3A_12 : i32
    %scan3A_14 = arith.constant 1 : i32
    %scan3A_15 = scf.for %scan3A_37 = %scan3A_11 to %scan3A_13 step %scan3A_14 iter_args(%scan3A_38 = %scan3A_10) -> (i32)  : i32 {
      %mul3A_39 = arith.constant 16 : i32
      %mul3A_40 = arith.muli %scan3A_37, %mul3A_39 : i32
      %swap3A = arith.index_cast %mul3A_40 : i32 to index
      %swap3A_41 = tpu.vector_load %arg6[%swap3A] {strides = array<i32>} : memref<640xf32, #tpu.memory_space<vmem>>, vector<16xf32>,
      %swap3A_42 = vector.shape_cast %swap3A_41 : vector<16xf32> to vector<16xf32>
      %swap3A_43 = vector.shape_cast %broadcast_in_dim3A_1 : vector<16xf32> to vector<16xf32>
      tpu.vector_store %arg6[%swap3A], %swap3A_43 {strides = array<i32>} : memref<640xf32, #tpu.memory_space<vmem>>, vector<16xf32>,
      %scan3A_44 = arith.constant 0 : i32
      scf.yield %scan3A_44 : i32
    }
    %scan3A_16 = arith.constant 40 : i32
    %mul3A_17 = arith.constant 640 : i32
    %mul3A_18 = arith.muli %arg1, %mul3A_17 : i32
    "tpu.region"() ({
      %run_scoped3A = tpu.sem_alloc : memref<!tpu.dma_semaphore, #tpu.memory_space<semaphore_mem>>
      %dma_start3A = tpu.memref_slice %arg7[%mul3A_18] : memref<10240xf32, #tpu.memory_space<vmem_shared>> -> memref<640xf32, #tpu.memory_space<vmem_shared>>
      %dma_start3A_37 = tpu.memref_slice %arg7[%mul3A_18] : memref<10240xf32, #tpu.memory_space<vmem_shared>> -> memref<640xf32, #tpu.memory_space<vmem_shared>>
      tpu.enqueue_dma source(%arg6 : memref<640xf32, #tpu.memory_space<vmem>>) target(%dma_start3A_37 : memref<640xf32, #tpu.memory_space<vmem_shared>>) target_semaphore(%run_scoped3A : memref<!tpu.dma_semaphore, #tpu.memory_space<semaphore_mem>>)
      %dma_wait3A = tpu.memref_slice %arg7[%mul3A_18] : memref<10240xf32, #tpu.memory_space<vmem_shared>> -> memref<640xf32, #tpu.memory_space<vmem_shared>>
      %dma_wait3A_38 = tpu.memref_slice %arg7[%mul3A_18] : memref<10240xf32, #tpu.memory_space<vmem_shared>> -> memref<640xf32, #tpu.memory_space<vmem_shared>>
      tpu.wait_dma2 semaphore(%run_scoped3A : memref<!tpu.dma_semaphore, #tpu.memory_space<semaphore_mem>>) src(%arg6 : memref<640xf32, #tpu.memory_space<vmem>>) dst(%dma_wait3A_38 : memref<640xf32, #tpu.memory_space<vmem_shared>>)
      tpu.yield
    }) : () -> ()
    %barrier3A = arith.constant 0 : index
    tpu.barrier barrier_id(%barrier3A)
    "tpu.region"() ({
      %run_scoped3A = tpu.sem_alloc : memref<!tpu.dma_semaphore, #tpu.memory_space<semaphore_mem>>
      %dma_start3A = arith.constant 0 : i32
      %dma_start3A_37 = arith.constant 0 : i32
      %dma_start3A_38 = tpu.memref_slice %arg2[%add3A, %dma_start3A, %dma_start3A_37] : memref<32x80x128xi32, #tpu.memory_space<hbm>> -> memref<1x80x128xi32, #tpu.memory_space<hbm>>
      %dma_start3A_39 = tpu.memref_squeeze %dma_start3A_38 : memref<1x80x128xi32, #tpu.memory_space<hbm>> -> memref<80x128xi32, #tpu.memory_space<hbm>>
      %dma_start3A_40 = arith.constant 0 : i32
      %dma_start3A_41 = arith.constant 0 : i32
      %dma_start3A_42 = tpu.memref_slice %arg2[%add3A, %dma_start3A_40, %dma_start3A_41] : memref<32x80x128xi32, #tpu.memory_space<hbm>> -> memref<1x80x128xi32, #tpu.memory_space<hbm>>
      %dma_start3A_43 = tpu.memref_squeeze %dma_start3A_42 : memref<1x80x128xi32, #tpu.memory_space<hbm>> -> memref<80x128xi32, #tpu.memory_space<hbm>>
      tpu.enqueue_dma source(%dma_start3A_43 : memref<80x128xi32, #tpu.memory_space<hbm>>) target(%arg4 : memref<80x128xi32, #tpu.memory_space<vmem>>) target_semaphore(%run_scoped3A : memref<!tpu.dma_semaphore, #tpu.memory_space<semaphore_mem>>)
      %dma_wait3A = arith.constant 0 : i32
      %dma_wait3A_44 = arith.constant 0 : i32
      %dma_wait3A_45 = tpu.memref_slice %arg2[%add3A, %dma_wait3A, %dma_wait3A_44] : memref<32x80x128xi32, #tpu.memory_space<hbm>> -> memref<1x80x128xi32, #tpu.memory_space<hbm>>
      %dma_wait3A_46 = tpu.memref_squeeze %dma_wait3A_45 : memref<1x80x128xi32, #tpu.memory_space<hbm>> -> memref<80x128xi32, #tpu.memory_space<hbm>>
      %dma_wait3A_47 = arith.constant 0 : i32
      %dma_wait3A_48 = arith.constant 0 : i32
      %dma_wait3A_49 = tpu.memref_slice %arg2[%add3A, %dma_wait3A_47, %dma_wait3A_48] : memref<32x80x128xi32, #tpu.memory_space<hbm>> -> memref<1x80x128xi32, #tpu.memory_space<hbm>>
      %dma_wait3A_50 = tpu.memref_squeeze %dma_wait3A_49 : memref<1x80x128xi32, #tpu.memory_space<hbm>> -> memref<80x128xi32, #tpu.memory_space<hbm>>
      tpu.wait_dma2 semaphore(%run_scoped3A : memref<!tpu.dma_semaphore, #tpu.memory_space<semaphore_mem>>) src(%dma_wait3A_50 : memref<80x128xi32, #tpu.memory_space<hbm>>) dst(%arg4 : memref<80x128xi32, #tpu.memory_space<vmem>>)
      tpu.yield
    }) : () -> ()
    %eq3A = arith.constant 31 : i32
    %eq3A_19 = arith.cmpi eq, %add3A, %eq3A : i32
    %jit3A = arith.constant 20 : i32
    %jit3A_20 = arith.constant 80 : i32
    %select_n3A = arith.select %eq3A_19, %jit3A, %jit3A_20 : i32
    %while3A = arith.constant 0 : i32
    %while3A_21 = arith.constant 0 : i32
    %while3A_22 = arith.subi %select_n3A, %while3A : i32
    %while3A_23 = arith.addi %while3A, %while3A_22 : i32
    %while3A_24 = arith.constant 1 : i32
    %while3A_25 = arith.divsi %while3A_22, %while3A_24 : i32
    %while3A_26 = arith.muli %while3A_25, %while3A_24 : i32
    %while3A_27 = arith.addi %while3A, %while3A_26 : i32
    %while3A_28 = arith.constant 1 : i32
    %while3A_29 = scf.for %while3A_37 = %while3A to %while3A_27 step %while3A_28 iter_args(%while3A_38 = %while3A_21) -> (i32)  : i32 {
      "tpu.region"() ({
        %run_scoped3A = tpu.sem_alloc : memref<!tpu.dma_semaphore, #tpu.memory_space<semaphore_mem>>
        %dma_start3A = arith.constant 0 : i32
        %dma_start3A_40 = tpu.memref_slice %arg4[%while3A_37, %dma_start3A] : memref<80x128xi32, #tpu.memory_space<vmem>> -> memref<1x128xi32, #tpu.memory_space<vmem>>
        %dma_start3A_41 = tpu.memref_squeeze %dma_start3A_40 : memref<1x128xi32, #tpu.memory_space<vmem>> -> memref<128xi32, #tpu.memory_space<vmem>>
        %dma_start3A_42 = arith.constant 0 : i32
        %dma_start3A_43 = tpu.memref_slice %arg7[%dma_start3A_42] : memref<10240xf32, #tpu.memory_space<vmem_shared>> -> memref<10240xf32, #tpu.memory_space<vmem_shared>>
        tpu.enqueue_indirect_dma source(%arg5 : memref<128xf32, #tpu.memory_space<vmem>>) target(%dma_start3A_43 : memref<10240xf32, #tpu.memory_space<vmem_shared>>) offsets(%dma_start3A_41 : memref<128xi32, #tpu.memory_space<vmem>>) semaphore(%run_scoped3A : memref<!tpu.dma_semaphore, #tpu.memory_space<semaphore_mem>>) {add = true}
        %dma_wait3A = arith.constant 0 : i32
        %dma_wait3A_44 = tpu.memref_slice %arg4[%while3A_37, %dma_wait3A] : memref<80x128xi32, #tpu.memory_space<vmem>> -> memref<1x128xi32, #tpu.memory_space<vmem>>
        %dma_wait3A_45 = tpu.memref_squeeze %dma_wait3A_44 : memref<1x128xi32, #tpu.memory_space<vmem>> -> memref<128xi32, #tpu.memory_space<vmem>>
        %dma_wait3A_46 = arith.constant 0 : i32
        %dma_wait3A_47 = tpu.memref_slice %arg7[%dma_wait3A_46] : memref<10240xf32, #tpu.memory_space<vmem_shared>> -> memref<10240xf32, #tpu.memory_space<vmem_shared>>
        tpu.wait_indirect_dma semaphore(%run_scoped3A : memref<!tpu.dma_semaphore, #tpu.memory_space<semaphore_mem>>) src(%arg5 : memref<128xf32, #tpu.memory_space<vmem>>) dst(%dma_wait3A_47 : memref<10240xf32, #tpu.memory_space<vmem_shared>>)
        tpu.yield
      }) : () -> ()
      %while3A_39 = arith.constant 0 : i32
      scf.yield %while3A_39 : i32
    }
    %while3A_30 = arith.constant 1 : i32
    %while3A_31 = scf.for %while3A_37 = %while3A_27 to %while3A_23 step %while3A_30 iter_args(%while3A_38 = %while3A_29) -> (i32)  : i32 {
      "tpu.region"() ({
        %run_scoped3A = tpu.sem_alloc : memref<!tpu.dma_semaphore, #tpu.memory_space<semaphore_mem>>
        %dma_start3A = arith.constant 0 : i32
        %dma_start3A_40 = tpu.memref_slice %arg4[%while3A_37, %dma_start3A] : memref<80x128xi32, #tpu.memory_space<vmem>> -> memref<1x128xi32, #tpu.memory_space<vmem>>
        %dma_start3A_41 = tpu.memref_squeeze %dma_start3A_40 : memref<1x128xi32, #tpu.memory_space<vmem>> -> memref<128xi32, #tpu.memory_space<vmem>>
        %dma_start3A_42 = arith.constant 0 : i32
        %dma_start3A_43 = tpu.memref_slice %arg7[%dma_start3A_42] : memref<10240xf32, #tpu.memory_space<vmem_shared>> -> memref<10240xf32, #tpu.memory_space<vmem_shared>>
        tpu.enqueue_indirect_dma source(%arg5 : memref<128xf32, #tpu.memory_space<vmem>>) target(%dma_start3A_43 : memref<10240xf32, #tpu.memory_space<vmem_shared>>) offsets(%dma_start3A_41 : memref<128xi32, #tpu.memory_space<vmem>>) semaphore(%run_scoped3A : memref<!tpu.dma_semaphore, #tpu.memory_space<semaphore_mem>>) {add = true}
        %dma_wait3A = arith.constant 0 : i32
        %dma_wait3A_44 = tpu.memref_slice %arg4[%while3A_37, %dma_wait3A] : memref<80x128xi32, #tpu.memory_space<vmem>> -> memref<1x128xi32, #tpu.memory_space<vmem>>
        %dma_wait3A_45 = tpu.memref_squeeze %dma_wait3A_44 : memref<1x128xi32, #tpu.memory_space<vmem>> -> memref<128xi32, #tpu.memory_space<vmem>>
        %dma_wait3A_46 = arith.constant 0 : i32
        %dma_wait3A_47 = tpu.memref_slice %arg7[%dma_wait3A_46] : memref<10240xf32, #tpu.memory_space<vmem_shared>> -> memref<10240xf32, #tpu.memory_space<vmem_shared>>
        tpu.wait_indirect_dma semaphore(%run_scoped3A : memref<!tpu.dma_semaphore, #tpu.memory_space<semaphore_mem>>) src(%arg5 : memref<128xf32, #tpu.memory_space<vmem>>) dst(%dma_wait3A_47 : memref<10240xf32, #tpu.memory_space<vmem_shared>>)
        tpu.yield
      }) : () -> ()
      %while3A_39 = arith.constant 0 : i32
      scf.yield %while3A_39 : i32
    }
    %barrier3A_32 = arith.constant 0 : index
    tpu.barrier barrier_id(%barrier3A_32)
    %mul3A_33 = arith.constant 640 : i32
    %mul3A_34 = arith.muli %arg1, %mul3A_33 : i32
    %mul3A_35 = arith.constant 640 : i32
    %mul3A_36 = arith.muli %arg1, %mul3A_35 : i32
    "tpu.region"() ({
      %run_scoped3A = tpu.sem_alloc : memref<!tpu.dma_semaphore, #tpu.memory_space<semaphore_mem>>
      %dma_start3A = tpu.memref_slice %arg3[%arg0, %mul3A_36] : memref<2x10240xf32, #tpu.memory_space<hbm>> -> memref<1x640xf32, #tpu.memory_space<hbm>>
      %dma_start3A_37 = tpu.memref_squeeze %dma_start3A : memref<1x640xf32, #tpu.memory_space<hbm>> -> memref<640xf32, #tpu.memory_space<hbm>>
      %dma_start3A_38 = tpu.memref_slice %arg7[%mul3A_34] : memref<10240xf32, #tpu.memory_space<vmem_shared>> -> memref<640xf32, #tpu.memory_space<vmem_shared>>
      tpu.enqueue_dma source(%dma_start3A_38 : memref<640xf32, #tpu.memory_space<vmem_shared>>) target(%dma_start3A_37 : memref<640xf32, #tpu.memory_space<hbm>>) target_semaphore(%run_scoped3A : memref<!tpu.dma_semaphore, #tpu.memory_space<semaphore_mem>>)
      %dma_wait3A = tpu.memref_slice %arg3[%arg0, %mul3A_36] : memref<2x10240xf32, #tpu.memory_space<hbm>> -> memref<1x640xf32, #tpu.memory_space<hbm>>
      %dma_wait3A_39 = tpu.memref_squeeze %dma_wait3A : memref<1x640xf32, #tpu.memory_space<hbm>> -> memref<640xf32, #tpu.memory_space<hbm>>
      %dma_wait3A_40 = tpu.memref_slice %arg7[%mul3A_34] : memref<10240xf32, #tpu.memory_space<vmem_shared>> -> memref<640xf32, #tpu.memory_space<vmem_shared>>
      tpu.wait_dma2 semaphore(%run_scoped3A : memref<!tpu.dma_semaphore, #tpu.memory_space<semaphore_mem>>) src(%dma_wait3A_40 : memref<640xf32, #tpu.memory_space<vmem_shared>>) dst(%dma_wait3A_39 : memref<640xf32, #tpu.memory_space<hbm>>)
      tpu.yield
    }) : () -> ()
    return
  }
}

#map = affine_map<(d0, d1) -> (0, 0)>
#map1 = affine_map<(d0, d1) -> (0, 0, 0)>
module attributes {stable_mosaic.version = 14 : i64} {
  func.func @_sc_edge_pass(%arg0: i32, %arg1: i32, %arg2: memref<10000x64xf32, #tpu.memory_space<hbm>>, %arg3: memref<32x80x128xi32, #tpu.memory_space<hbm>>, %arg4: memref<32x80x128xi32, #tpu.memory_space<hbm>>, %arg5: memref<2x10240x64xf32, #tpu.memory_space<hbm>>, %arg6: memref<80x128xi32, #tpu.memory_space<vmem>>, %arg7: memref<80x128xi32, #tpu.memory_space<vmem>>, %arg8: memref<128x64xf32, #tpu.memory_space<vmem>>, %arg9: memref<128x64xf32, #tpu.memory_space<vmem>>, %arg10: memref<10240x64xf32, #tpu.memory_space<vmem_shared>>, %arg11: memref<!tpu.dma_semaphore, #tpu.memory_space<semaphore_mem>>, %arg12: memref<!tpu.dma_semaphore, #tpu.memory_space<semaphore_mem>>) attributes {dimension_semantics = [#tpu.dimension_semantics<core_parallel>, #tpu.dimension_semantics<subcore_parallel>], iteration_bounds = array<i64: 2, 16>, scalar_prefetch = 0 : i64, scratch_operands = 7 : i64, tpu.core_type = #tpu.core_type<sc_vector_subcore>, window_params = [{transform_indices = #map}, {transform_indices = #map1}, {transform_indices = #map1}, {transform_indices = #map1}]} {
    %mul3A = arith.constant 16 : i32
    %mul3A_0 = arith.muli %arg0, %mul3A : i32
    %add3A = arith.addi %mul3A_0, %arg1 : i32
    %broadcast_in_dim3A = arith.constant 0.000000e+00 : f32
    %broadcast_in_dim3A_1 = vector.broadcast %broadcast_in_dim3A : f32 to vector<16xf32>
    %scan3A = arith.constant 0 : i32
    %scan3A_2 = arith.constant 0 : i32
    %scan3A_3 = arith.constant 128 : i32
    %scan3A_4 = arith.addi %scan3A_2, %scan3A_3 : i32
    %scan3A_5 = arith.constant 1 : i32
    %scan3A_6 = scf.for %scan3A_46 = %scan3A_2 to %scan3A_4 step %scan3A_5 iter_args(%scan3A_47 = %scan3A) -> (i32)  : i32 {
      %swap3A = arith.index_cast %scan3A_46 : i32 to index
      %swap3A_48 = arith.constant 0 : index
      %swap3A_49 = tpu.vector_load %arg8[%swap3A, %swap3A_48] {strides = array<i32>} : memref<128x64xf32, #tpu.memory_space<vmem>>, vector<1x16xf32>,
      %swap3A_50 = vector.shape_cast %swap3A_49 : vector<1x16xf32> to vector<16xf32>
      %swap3A_51 = vector.shape_cast %broadcast_in_dim3A_1 : vector<16xf32> to vector<1x16xf32>
      tpu.vector_store %arg8[%swap3A, %swap3A_48], %swap3A_51 {strides = array<i32>} : memref<128x64xf32, #tpu.memory_space<vmem>>, vector<1x16xf32>,
      %swap3A_52 = arith.index_cast %scan3A_46 : i32 to index
      %swap3A_53 = arith.constant 16 : index
      %swap3A_54 = tpu.vector_load %arg8[%swap3A_52, %swap3A_53] {strides = array<i32>} : memref<128x64xf32, #tpu.memory_space<vmem>>, vector<1x16xf32>,
      %swap3A_55 = vector.shape_cast %swap3A_54 : vector<1x16xf32> to vector<16xf32>
      %swap3A_56 = vector.shape_cast %broadcast_in_dim3A_1 : vector<16xf32> to vector<1x16xf32>
      tpu.vector_store %arg8[%swap3A_52, %swap3A_53], %swap3A_56 {strides = array<i32>} : memref<128x64xf32, #tpu.memory_space<vmem>>, vector<1x16xf32>,
      %swap3A_57 = arith.index_cast %scan3A_46 : i32 to index
      %swap3A_58 = arith.constant 32 : index
      %swap3A_59 = tpu.vector_load %arg8[%swap3A_57, %swap3A_58] {strides = array<i32>} : memref<128x64xf32, #tpu.memory_space<vmem>>, vector<1x16xf32>,
      %swap3A_60 = vector.shape_cast %swap3A_59 : vector<1x16xf32> to vector<16xf32>
      %swap3A_61 = vector.shape_cast %broadcast_in_dim3A_1 : vector<16xf32> to vector<1x16xf32>
      tpu.vector_store %arg8[%swap3A_57, %swap3A_58], %swap3A_61 {strides = array<i32>} : memref<128x64xf32, #tpu.memory_space<vmem>>, vector<1x16xf32>,
      %swap3A_62 = arith.index_cast %scan3A_46 : i32 to index
      %swap3A_63 = arith.constant 48 : index
      %swap3A_64 = tpu.vector_load %arg8[%swap3A_62, %swap3A_63] {strides = array<i32>} : memref<128x64xf32, #tpu.memory_space<vmem>>, vector<1x16xf32>,
      %swap3A_65 = vector.shape_cast %swap3A_64 : vector<1x16xf32> to vector<16xf32>
      %swap3A_66 = vector.shape_cast %broadcast_in_dim3A_1 : vector<16xf32> to vector<1x16xf32>
      tpu.vector_store %arg8[%swap3A_62, %swap3A_63], %swap3A_66 {strides = array<i32>} : memref<128x64xf32, #tpu.memory_space<vmem>>, vector<1x16xf32>,
      %scan3A_67 = arith.constant 0 : i32
      scf.yield %scan3A_67 : i32
    }
    %scan3A_7 = arith.constant 128 : i32
    %mul3A_8 = arith.constant 640 : i32
    %mul3A_9 = arith.muli %arg1, %mul3A_8 : i32
    %add3A_10 = arith.constant 0 : i32
    %add3A_11 = arith.addi %mul3A_9, %add3A_10 : i32
    "tpu.region"() ({
      %run_scoped3A = tpu.sem_alloc : memref<!tpu.dma_semaphore, #tpu.memory_space<semaphore_mem>>
      %dma_start3A_46 = arith.constant 0 : i32
      %dma_start3A_47 = arith.constant 0 : i32
      %dma_start3A_48 = tpu.memref_slice %arg8[%dma_start3A_46, %dma_start3A_47] : memref<128x64xf32, #tpu.memory_space<vmem>> -> memref<128x64xf32, #tpu.memory_space<vmem>>
      %dma_start3A_49 = arith.constant 0 : i32
      %dma_start3A_50 = tpu.memref_slice %arg10[%add3A_11, %dma_start3A_49] : memref<10240x64xf32, #tpu.memory_space<vmem_shared>> -> memref<128x64xf32, #tpu.memory_space<vmem_shared>>
      %dma_start3A_51 = arith.constant 0 : i32
      %dma_start3A_52 = tpu.memref_slice %arg10[%add3A_11, %dma_start3A_51] : memref<10240x64xf32, #tpu.memory_space<vmem_shared>> -> memref<128x64xf32, #tpu.memory_space<vmem_shared>>
      %dma_start3A_53 = arith.constant 0 : i32
      %dma_start3A_54 = arith.constant 0 : i32
      %dma_start3A_55 = tpu.memref_slice %arg8[%dma_start3A_53, %dma_start3A_54] : memref<128x64xf32, #tpu.memory_space<vmem>> -> memref<128x64xf32, #tpu.memory_space<vmem>>
      tpu.enqueue_dma source(%dma_start3A_55 : memref<128x64xf32, #tpu.memory_space<vmem>>) target(%dma_start3A_52 : memref<128x64xf32, #tpu.memory_space<vmem_shared>>) target_semaphore(%run_scoped3A : memref<!tpu.dma_semaphore, #tpu.memory_space<semaphore_mem>>)
      %dma_wait3A = arith.constant 0 : i32
      %dma_wait3A_56 = arith.constant 0 : i32
      %dma_wait3A_57 = tpu.memref_slice %arg8[%dma_wait3A, %dma_wait3A_56] : memref<128x64xf32, #tpu.memory_space<vmem>> -> memref<128x64xf32, #tpu.memory_space<vmem>>
      %dma_wait3A_58 = arith.constant 0 : i32
      %dma_wait3A_59 = tpu.memref_slice %arg10[%add3A_11, %dma_wait3A_58] : memref<10240x64xf32, #tpu.memory_space<vmem_shared>> -> memref<128x64xf32, #tpu.memory_space<vmem_shared>>
      %dma_wait3A_60 = arith.constant 0 : i32
      %dma_wait3A_61 = tpu.memref_slice %arg10[%add3A_11, %dma_wait3A_60] : memref<10240x64xf32, #tpu.memory_space<vmem_shared>> -> memref<128x64xf32, #tpu.memory_space<vmem_shared>>
      %dma_wait3A_62 = arith.constant 0 : i32
      %dma_wait3A_63 = arith.constant 0 : i32
      %dma_wait3A_64 = tpu.memref_slice %arg8[%dma_wait3A_62, %dma_wait3A_63] : memref<128x64xf32, #tpu.memory_space<vmem>> -> memref<128x64xf32, #tpu.memory_space<vmem>>
      tpu.wait_dma2 semaphore(%run_scoped3A : memref<!tpu.dma_semaphore, #tpu.memory_space<semaphore_mem>>) src(%dma_wait3A_64 : memref<128x64xf32, #tpu.memory_space<vmem>>) dst(%dma_wait3A_61 : memref<128x64xf32, #tpu.memory_space<vmem_shared>>)
      tpu.yield
    }) : () -> ()
    %mul3A_12 = arith.constant 640 : i32
    %mul3A_13 = arith.muli %arg1, %mul3A_12 : i32
    %add3A_14 = arith.constant 128 : i32
    %add3A_15 = arith.addi %mul3A_13, %add3A_14 : i32
    "tpu.region"() ({
      %run_scoped3A = tpu.sem_alloc : memref<!tpu.dma_semaphore, #tpu.memory_space<semaphore_mem>>
      %dma_start3A_46 = arith.constant 0 : i32
      %dma_start3A_47 = arith.constant 0 : i32
      %dma_start3A_48 = tpu.memref_slice %arg8[%dma_start3A_46, %dma_start3A_47] : memref<128x64xf32, #tpu.memory_space<vmem>> -> memref<128x64xf32, #tpu.memory_space<vmem>>
      %dma_start3A_49 = arith.constant 0 : i32
      %dma_start3A_50 = tpu.memref_slice %arg10[%add3A_15, %dma_start3A_49] : memref<10240x64xf32, #tpu.memory_space<vmem_shared>> -> memref<128x64xf32, #tpu.memory_space<vmem_shared>>
      %dma_start3A_51 = arith.constant 0 : i32
      %dma_start3A_52 = tpu.memref_slice %arg10[%add3A_15, %dma_start3A_51] : memref<10240x64xf32, #tpu.memory_space<vmem_shared>> -> memref<128x64xf32, #tpu.memory_space<vmem_shared>>
      %dma_start3A_53 = arith.constant 0 : i32
      %dma_start3A_54 = arith.constant 0 : i32
      %dma_start3A_55 = tpu.memref_slice %arg8[%dma_start3A_53, %dma_start3A_54] : memref<128x64xf32, #tpu.memory_space<vmem>> -> memref<128x64xf32, #tpu.memory_space<vmem>>
      tpu.enqueue_dma source(%dma_start3A_55 : memref<128x64xf32, #tpu.memory_space<vmem>>) target(%dma_start3A_52 : memref<128x64xf32, #tpu.memory_space<vmem_shared>>) target_semaphore(%run_scoped3A : memref<!tpu.dma_semaphore, #tpu.memory_space<semaphore_mem>>)
      %dma_wait3A = arith.constant 0 : i32
      %dma_wait3A_56 = arith.constant 0 : i32
      %dma_wait3A_57 = tpu.memref_slice %arg8[%dma_wait3A, %dma_wait3A_56] : memref<128x64xf32, #tpu.memory_space<vmem>> -> memref<128x64xf32, #tpu.memory_space<vmem>>
      %dma_wait3A_58 = arith.constant 0 : i32
      %dma_wait3A_59 = tpu.memref_slice %arg10[%add3A_15, %dma_wait3A_58] : memref<10240x64xf32, #tpu.memory_space<vmem_shared>> -> memref<128x64xf32, #tpu.memory_space<vmem_shared>>
      %dma_wait3A_60 = arith.constant 0 : i32
      %dma_wait3A_61 = tpu.memref_slice %arg10[%add3A_15, %dma_wait3A_60] : memref<10240x64xf32, #tpu.memory_space<vmem_shared>> -> memref<128x64xf32, #tpu.memory_space<vmem_shared>>
      %dma_wait3A_62 = arith.constant 0 : i32
      %dma_wait3A_63 = arith.constant 0 : i32
      %dma_wait3A_64 = tpu.memref_slice %arg8[%dma_wait3A_62, %dma_wait3A_63] : memref<128x64xf32, #tpu.memory_space<vmem>> -> memref<128x64xf32, #tpu.memory_space<vmem>>
      tpu.wait_dma2 semaphore(%run_scoped3A : memref<!tpu.dma_semaphore, #tpu.memory_space<semaphore_mem>>) src(%dma_wait3A_64 : memref<128x64xf32, #tpu.memory_space<vmem>>) dst(%dma_wait3A_61 : memref<128x64xf32, #tpu.memory_space<vmem_shared>>)
      tpu.yield
    }) : () -> ()
    %mul3A_16 = arith.constant 640 : i32
    %mul3A_17 = arith.muli %arg1, %mul3A_16 : i32
    %add3A_18 = arith.constant 256 : i32
    %add3A_19 = arith.addi %mul3A_17, %add3A_18 : i32
    "tpu.region"() ({
      %run_scoped3A = tpu.sem_alloc : memref<!tpu.dma_semaphore, #tpu.memory_space<semaphore_mem>>
      %dma_start3A_46 = arith.constant 0 : i32
      %dma_start3A_47 = arith.constant 0 : i32
      %dma_start3A_48 = tpu.memref_slice %arg8[%dma_start3A_46, %dma_start3A_47] : memref<128x64xf32, #tpu.memory_space<vmem>> -> memref<128x64xf32, #tpu.memory_space<vmem>>
      %dma_start3A_49 = arith.constant 0 : i32
      %dma_start3A_50 = tpu.memref_slice %arg10[%add3A_19, %dma_start3A_49] : memref<10240x64xf32, #tpu.memory_space<vmem_shared>> -> memref<128x64xf32, #tpu.memory_space<vmem_shared>>
      %dma_start3A_51 = arith.constant 0 : i32
      %dma_start3A_52 = tpu.memref_slice %arg10[%add3A_19, %dma_start3A_51] : memref<10240x64xf32, #tpu.memory_space<vmem_shared>> -> memref<128x64xf32, #tpu.memory_space<vmem_shared>>
      %dma_start3A_53 = arith.constant 0 : i32
      %dma_start3A_54 = arith.constant 0 : i32
      %dma_start3A_55 = tpu.memref_slice %arg8[%dma_start3A_53, %dma_start3A_54] : memref<128x64xf32, #tpu.memory_space<vmem>> -> memref<128x64xf32, #tpu.memory_space<vmem>>
      tpu.enqueue_dma source(%dma_start3A_55 : memref<128x64xf32, #tpu.memory_space<vmem>>) target(%dma_start3A_52 : memref<128x64xf32, #tpu.memory_space<vmem_shared>>) target_semaphore(%run_scoped3A : memref<!tpu.dma_semaphore, #tpu.memory_space<semaphore_mem>>)
      %dma_wait3A = arith.constant 0 : i32
      %dma_wait3A_56 = arith.constant 0 : i32
      %dma_wait3A_57 = tpu.memref_slice %arg8[%dma_wait3A, %dma_wait3A_56] : memref<128x64xf32, #tpu.memory_space<vmem>> -> memref<128x64xf32, #tpu.memory_space<vmem>>
      %dma_wait3A_58 = arith.constant 0 : i32
      %dma_wait3A_59 = tpu.memref_slice %arg10[%add3A_19, %dma_wait3A_58] : memref<10240x64xf32, #tpu.memory_space<vmem_shared>> -> memref<128x64xf32, #tpu.memory_space<vmem_shared>>
      %dma_wait3A_60 = arith.constant 0 : i32
      %dma_wait3A_61 = tpu.memref_slice %arg10[%add3A_19, %dma_wait3A_60] : memref<10240x64xf32, #tpu.memory_space<vmem_shared>> -> memref<128x64xf32, #tpu.memory_space<vmem_shared>>
      %dma_wait3A_62 = arith.constant 0 : i32
      %dma_wait3A_63 = arith.constant 0 : i32
      %dma_wait3A_64 = tpu.memref_slice %arg8[%dma_wait3A_62, %dma_wait3A_63] : memref<128x64xf32, #tpu.memory_space<vmem>> -> memref<128x64xf32, #tpu.memory_space<vmem>>
      tpu.wait_dma2 semaphore(%run_scoped3A : memref<!tpu.dma_semaphore, #tpu.memory_space<semaphore_mem>>) src(%dma_wait3A_64 : memref<128x64xf32, #tpu.memory_space<vmem>>) dst(%dma_wait3A_61 : memref<128x64xf32, #tpu.memory_space<vmem_shared>>)
      tpu.yield
    }) : () -> ()
    %mul3A_20 = arith.constant 640 : i32
    %mul3A_21 = arith.muli %arg1, %mul3A_20 : i32
    %add3A_22 = arith.constant 384 : i32
    %add3A_23 = arith.addi %mul3A_21, %add3A_22 : i32
    "tpu.region"() ({
      %run_scoped3A = tpu.sem_alloc : memref<!tpu.dma_semaphore, #tpu.memory_space<semaphore_mem>>
      %dma_start3A_46 = arith.constant 0 : i32
      %dma_start3A_47 = arith.constant 0 : i32
      %dma_start3A_48 = tpu.memref_slice %arg8[%dma_start3A_46, %dma_start3A_47] : memref<128x64xf32, #tpu.memory_space<vmem>> -> memref<128x64xf32, #tpu.memory_space<vmem>>
      %dma_start3A_49 = arith.constant 0 : i32
      %dma_start3A_50 = tpu.memref_slice %arg10[%add3A_23, %dma_start3A_49] : memref<10240x64xf32, #tpu.memory_space<vmem_shared>> -> memref<128x64xf32, #tpu.memory_space<vmem_shared>>
      %dma_start3A_51 = arith.constant 0 : i32
      %dma_start3A_52 = tpu.memref_slice %arg10[%add3A_23, %dma_start3A_51] : memref<10240x64xf32, #tpu.memory_space<vmem_shared>> -> memref<128x64xf32, #tpu.memory_space<vmem_shared>>
      %dma_start3A_53 = arith.constant 0 : i32
      %dma_start3A_54 = arith.constant 0 : i32
      %dma_start3A_55 = tpu.memref_slice %arg8[%dma_start3A_53, %dma_start3A_54] : memref<128x64xf32, #tpu.memory_space<vmem>> -> memref<128x64xf32, #tpu.memory_space<vmem>>
      tpu.enqueue_dma source(%dma_start3A_55 : memref<128x64xf32, #tpu.memory_space<vmem>>) target(%dma_start3A_52 : memref<128x64xf32, #tpu.memory_space<vmem_shared>>) target_semaphore(%run_scoped3A : memref<!tpu.dma_semaphore, #tpu.memory_space<semaphore_mem>>)
      %dma_wait3A = arith.constant 0 : i32
      %dma_wait3A_56 = arith.constant 0 : i32
      %dma_wait3A_57 = tpu.memref_slice %arg8[%dma_wait3A, %dma_wait3A_56] : memref<128x64xf32, #tpu.memory_space<vmem>> -> memref<128x64xf32, #tpu.memory_space<vmem>>
      %dma_wait3A_58 = arith.constant 0 : i32
      %dma_wait3A_59 = tpu.memref_slice %arg10[%add3A_23, %dma_wait3A_58] : memref<10240x64xf32, #tpu.memory_space<vmem_shared>> -> memref<128x64xf32, #tpu.memory_space<vmem_shared>>
      %dma_wait3A_60 = arith.constant 0 : i32
      %dma_wait3A_61 = tpu.memref_slice %arg10[%add3A_23, %dma_wait3A_60] : memref<10240x64xf32, #tpu.memory_space<vmem_shared>> -> memref<128x64xf32, #tpu.memory_space<vmem_shared>>
      %dma_wait3A_62 = arith.constant 0 : i32
      %dma_wait3A_63 = arith.constant 0 : i32
      %dma_wait3A_64 = tpu.memref_slice %arg8[%dma_wait3A_62, %dma_wait3A_63] : memref<128x64xf32, #tpu.memory_space<vmem>> -> memref<128x64xf32, #tpu.memory_space<vmem>>
      tpu.wait_dma2 semaphore(%run_scoped3A : memref<!tpu.dma_semaphore, #tpu.memory_space<semaphore_mem>>) src(%dma_wait3A_64 : memref<128x64xf32, #tpu.memory_space<vmem>>) dst(%dma_wait3A_61 : memref<128x64xf32, #tpu.memory_space<vmem_shared>>)
      tpu.yield
    }) : () -> ()
    %mul3A_24 = arith.constant 640 : i32
    %mul3A_25 = arith.muli %arg1, %mul3A_24 : i32
    %add3A_26 = arith.constant 512 : i32
    %add3A_27 = arith.addi %mul3A_25, %add3A_26 : i32
    "tpu.region"() ({
      %run_scoped3A = tpu.sem_alloc : memref<!tpu.dma_semaphore, #tpu.memory_space<semaphore_mem>>
      %dma_start3A_46 = arith.constant 0 : i32
      %dma_start3A_47 = arith.constant 0 : i32
      %dma_start3A_48 = tpu.memref_slice %arg8[%dma_start3A_46, %dma_start3A_47] : memref<128x64xf32, #tpu.memory_space<vmem>> -> memref<128x64xf32, #tpu.memory_space<vmem>>
      %dma_start3A_49 = arith.constant 0 : i32
      %dma_start3A_50 = tpu.memref_slice %arg10[%add3A_27, %dma_start3A_49] : memref<10240x64xf32, #tpu.memory_space<vmem_shared>> -> memref<128x64xf32, #tpu.memory_space<vmem_shared>>
      %dma_start3A_51 = arith.constant 0 : i32
      %dma_start3A_52 = tpu.memref_slice %arg10[%add3A_27, %dma_start3A_51] : memref<10240x64xf32, #tpu.memory_space<vmem_shared>> -> memref<128x64xf32, #tpu.memory_space<vmem_shared>>
      %dma_start3A_53 = arith.constant 0 : i32
      %dma_start3A_54 = arith.constant 0 : i32
      %dma_start3A_55 = tpu.memref_slice %arg8[%dma_start3A_53, %dma_start3A_54] : memref<128x64xf32, #tpu.memory_space<vmem>> -> memref<128x64xf32, #tpu.memory_space<vmem>>
      tpu.enqueue_dma source(%dma_start3A_55 : memref<128x64xf32, #tpu.memory_space<vmem>>) target(%dma_start3A_52 : memref<128x64xf32, #tpu.memory_space<vmem_shared>>) target_semaphore(%run_scoped3A : memref<!tpu.dma_semaphore, #tpu.memory_space<semaphore_mem>>)
      %dma_wait3A = arith.constant 0 : i32
      %dma_wait3A_56 = arith.constant 0 : i32
      %dma_wait3A_57 = tpu.memref_slice %arg8[%dma_wait3A, %dma_wait3A_56] : memref<128x64xf32, #tpu.memory_space<vmem>> -> memref<128x64xf32, #tpu.memory_space<vmem>>
      %dma_wait3A_58 = arith.constant 0 : i32
      %dma_wait3A_59 = tpu.memref_slice %arg10[%add3A_27, %dma_wait3A_58] : memref<10240x64xf32, #tpu.memory_space<vmem_shared>> -> memref<128x64xf32, #tpu.memory_space<vmem_shared>>
      %dma_wait3A_60 = arith.constant 0 : i32
      %dma_wait3A_61 = tpu.memref_slice %arg10[%add3A_27, %dma_wait3A_60] : memref<10240x64xf32, #tpu.memory_space<vmem_shared>> -> memref<128x64xf32, #tpu.memory_space<vmem_shared>>
      %dma_wait3A_62 = arith.constant 0 : i32
      %dma_wait3A_63 = arith.constant 0 : i32
      %dma_wait3A_64 = tpu.memref_slice %arg8[%dma_wait3A_62, %dma_wait3A_63] : memref<128x64xf32, #tpu.memory_space<vmem>> -> memref<128x64xf32, #tpu.memory_space<vmem>>
      tpu.wait_dma2 semaphore(%run_scoped3A : memref<!tpu.dma_semaphore, #tpu.memory_space<semaphore_mem>>) src(%dma_wait3A_64 : memref<128x64xf32, #tpu.memory_space<vmem>>) dst(%dma_wait3A_61 : memref<128x64xf32, #tpu.memory_space<vmem_shared>>)
      tpu.yield
    }) : () -> ()
    %barrier3A = arith.constant 0 : index
    tpu.barrier barrier_id(%barrier3A)
    "tpu.region"() ({
      %run_scoped3A = tpu.sem_alloc : memref<!tpu.dma_semaphore, #tpu.memory_space<semaphore_mem>>
      %dma_start3A_46 = arith.constant 0 : i32
      %dma_start3A_47 = arith.constant 0 : i32
      %dma_start3A_48 = tpu.memref_slice %arg3[%add3A, %dma_start3A_46, %dma_start3A_47] : memref<32x80x128xi32, #tpu.memory_space<hbm>> -> memref<1x80x128xi32, #tpu.memory_space<hbm>>
      %dma_start3A_49 = tpu.memref_squeeze %dma_start3A_48 : memref<1x80x128xi32, #tpu.memory_space<hbm>> -> memref<80x128xi32, #tpu.memory_space<hbm>>
      %dma_start3A_50 = arith.constant 0 : i32
      %dma_start3A_51 = arith.constant 0 : i32
      %dma_start3A_52 = tpu.memref_slice %arg3[%add3A, %dma_start3A_50, %dma_start3A_51] : memref<32x80x128xi32, #tpu.memory_space<hbm>> -> memref<1x80x128xi32, #tpu.memory_space<hbm>>
      %dma_start3A_53 = tpu.memref_squeeze %dma_start3A_52 : memref<1x80x128xi32, #tpu.memory_space<hbm>> -> memref<80x128xi32, #tpu.memory_space<hbm>>
      tpu.enqueue_dma source(%dma_start3A_53 : memref<80x128xi32, #tpu.memory_space<hbm>>) target(%arg6 : memref<80x128xi32, #tpu.memory_space<vmem>>) target_semaphore(%run_scoped3A : memref<!tpu.dma_semaphore, #tpu.memory_space<semaphore_mem>>)
      %dma_wait3A = arith.constant 0 : i32
      %dma_wait3A_54 = arith.constant 0 : i32
      %dma_wait3A_55 = tpu.memref_slice %arg3[%add3A, %dma_wait3A, %dma_wait3A_54] : memref<32x80x128xi32, #tpu.memory_space<hbm>> -> memref<1x80x128xi32, #tpu.memory_space<hbm>>
      %dma_wait3A_56 = tpu.memref_squeeze %dma_wait3A_55 : memref<1x80x128xi32, #tpu.memory_space<hbm>> -> memref<80x128xi32, #tpu.memory_space<hbm>>
      %dma_wait3A_57 = arith.constant 0 : i32
      %dma_wait3A_58 = arith.constant 0 : i32
      %dma_wait3A_59 = tpu.memref_slice %arg3[%add3A, %dma_wait3A_57, %dma_wait3A_58] : memref<32x80x128xi32, #tpu.memory_space<hbm>> -> memref<1x80x128xi32, #tpu.memory_space<hbm>>
      %dma_wait3A_60 = tpu.memref_squeeze %dma_wait3A_59 : memref<1x80x128xi32, #tpu.memory_space<hbm>> -> memref<80x128xi32, #tpu.memory_space<hbm>>
      tpu.wait_dma2 semaphore(%run_scoped3A : memref<!tpu.dma_semaphore, #tpu.memory_space<semaphore_mem>>) src(%dma_wait3A_60 : memref<80x128xi32, #tpu.memory_space<hbm>>) dst(%arg6 : memref<80x128xi32, #tpu.memory_space<vmem>>)
      tpu.yield
    }) : () -> ()
    "tpu.region"() ({
      %run_scoped3A = tpu.sem_alloc : memref<!tpu.dma_semaphore, #tpu.memory_space<semaphore_mem>>
      %dma_start3A_46 = arith.constant 0 : i32
      %dma_start3A_47 = arith.constant 0 : i32
      %dma_start3A_48 = tpu.memref_slice %arg4[%add3A, %dma_start3A_46, %dma_start3A_47] : memref<32x80x128xi32, #tpu.memory_space<hbm>> -> memref<1x80x128xi32, #tpu.memory_space<hbm>>
      %dma_start3A_49 = tpu.memref_squeeze %dma_start3A_48 : memref<1x80x128xi32, #tpu.memory_space<hbm>> -> memref<80x128xi32, #tpu.memory_space<hbm>>
      %dma_start3A_50 = arith.constant 0 : i32
      %dma_start3A_51 = arith.constant 0 : i32
      %dma_start3A_52 = tpu.memref_slice %arg4[%add3A, %dma_start3A_50, %dma_start3A_51] : memref<32x80x128xi32, #tpu.memory_space<hbm>> -> memref<1x80x128xi32, #tpu.memory_space<hbm>>
      %dma_start3A_53 = tpu.memref_squeeze %dma_start3A_52 : memref<1x80x128xi32, #tpu.memory_space<hbm>> -> memref<80x128xi32, #tpu.memory_space<hbm>>
      tpu.enqueue_dma source(%dma_start3A_53 : memref<80x128xi32, #tpu.memory_space<hbm>>) target(%arg7 : memref<80x128xi32, #tpu.memory_space<vmem>>) target_semaphore(%run_scoped3A : memref<!tpu.dma_semaphore, #tpu.memory_space<semaphore_mem>>)
      %dma_wait3A = arith.constant 0 : i32
      %dma_wait3A_54 = arith.constant 0 : i32
      %dma_wait3A_55 = tpu.memref_slice %arg4[%add3A, %dma_wait3A, %dma_wait3A_54] : memref<32x80x128xi32, #tpu.memory_space<hbm>> -> memref<1x80x128xi32, #tpu.memory_space<hbm>>
      %dma_wait3A_56 = tpu.memref_squeeze %dma_wait3A_55 : memref<1x80x128xi32, #tpu.memory_space<hbm>> -> memref<80x128xi32, #tpu.memory_space<hbm>>
      %dma_wait3A_57 = arith.constant 0 : i32
      %dma_wait3A_58 = arith.constant 0 : i32
      %dma_wait3A_59 = tpu.memref_slice %arg4[%add3A, %dma_wait3A_57, %dma_wait3A_58] : memref<32x80x128xi32, #tpu.memory_space<hbm>> -> memref<1x80x128xi32, #tpu.memory_space<hbm>>
      %dma_wait3A_60 = tpu.memref_squeeze %dma_wait3A_59 : memref<1x80x128xi32, #tpu.memory_space<hbm>> -> memref<80x128xi32, #tpu.memory_space<hbm>>
      tpu.wait_dma2 semaphore(%run_scoped3A : memref<!tpu.dma_semaphore, #tpu.memory_space<semaphore_mem>>) src(%dma_wait3A_60 : memref<80x128xi32, #tpu.memory_space<hbm>>) dst(%arg7 : memref<80x128xi32, #tpu.memory_space<vmem>>)
      tpu.yield
    }) : () -> ()
    %dma_start3A = arith.constant 0 : i32
    %dma_start3A_28 = arith.constant 0 : i32
    %dma_start3A_29 = tpu.memref_slice %arg6[%dma_start3A, %dma_start3A_28] : memref<80x128xi32, #tpu.memory_space<vmem>> -> memref<1x128xi32, #tpu.memory_space<vmem>>
    %dma_start3A_30 = tpu.memref_squeeze %dma_start3A_29 : memref<1x128xi32, #tpu.memory_space<vmem>> -> memref<128xi32, #tpu.memory_space<vmem>>
    %dma_start3A_31 = arith.constant 0 : i32
    %dma_start3A_32 = arith.constant 0 : i32
    %dma_start3A_33 = tpu.memref_slice %arg2[%dma_start3A_31, %dma_start3A_32] : memref<10000x64xf32, #tpu.memory_space<hbm>> -> memref<10000x64xf32, #tpu.memory_space<hbm>>
    tpu.enqueue_indirect_dma source(%dma_start3A_33 : memref<10000x64xf32, #tpu.memory_space<hbm>>) target(%arg8 : memref<128x64xf32, #tpu.memory_space<vmem>>) offsets(%dma_start3A_30 : memref<128xi32, #tpu.memory_space<vmem>>) semaphore(%arg11 : memref<!tpu.dma_semaphore, #tpu.memory_space<semaphore_mem>>)
    %scan3A_34 = arith.constant 0 : i32
    %scan3A_35 = arith.constant 0 : i32
    %scan3A_36 = arith.constant 40 : i32
    %scan3A_37 = arith.addi %scan3A_35, %scan3A_36 : i32
    %scan3A_38 = arith.constant 1 : i32
    %scan3A_39 = scf.for %scan3A_46 = %scan3A_35 to %scan3A_37 step %scan3A_38 iter_args(%scan3A_47 = %scan3A_34) -> (i32)  : i32 {
      %mul3A_48 = arith.constant 2 : i32
      %mul3A_49 = arith.muli %mul3A_48, %scan3A_46 : i32
      %add3A_50 = arith.constant 1 : i32
      %add3A_51 = arith.addi %mul3A_49, %add3A_50 : i32
      %dma_start3A_52 = arith.constant 0 : i32
      %dma_start3A_53 = tpu.memref_slice %arg6[%add3A_51, %dma_start3A_52] : memref<80x128xi32, #tpu.memory_space<vmem>> -> memref<1x128xi32, #tpu.memory_space<vmem>>
      %dma_start3A_54 = tpu.memref_squeeze %dma_start3A_53 : memref<1x128xi32, #tpu.memory_space<vmem>> -> memref<128xi32, #tpu.memory_space<vmem>>
      %dma_start3A_55 = arith.constant 0 : i32
      %dma_start3A_56 = arith.constant 0 : i32
      %dma_start3A_57 = tpu.memref_slice %arg2[%dma_start3A_55, %dma_start3A_56] : memref<10000x64xf32, #tpu.memory_space<hbm>> -> memref<10000x64xf32, #tpu.memory_space<hbm>>
      tpu.enqueue_indirect_dma source(%dma_start3A_57 : memref<10000x64xf32, #tpu.memory_space<hbm>>) target(%arg9 : memref<128x64xf32, #tpu.memory_space<vmem>>) offsets(%dma_start3A_54 : memref<128xi32, #tpu.memory_space<vmem>>) semaphore(%arg12 : memref<!tpu.dma_semaphore, #tpu.memory_space<semaphore_mem>>)
      %dma_wait3A = arith.constant 0 : i32
      %dma_wait3A_58 = tpu.memref_slice %arg6[%mul3A_49, %dma_wait3A] : memref<80x128xi32, #tpu.memory_space<vmem>> -> memref<1x128xi32, #tpu.memory_space<vmem>>
      %dma_wait3A_59 = tpu.memref_squeeze %dma_wait3A_58 : memref<1x128xi32, #tpu.memory_space<vmem>> -> memref<128xi32, #tpu.memory_space<vmem>>
      %dma_wait3A_60 = arith.constant 0 : i32
      %dma_wait3A_61 = arith.constant 0 : i32
      %dma_wait3A_62 = tpu.memref_slice %arg2[%dma_wait3A_60, %dma_wait3A_61] : memref<10000x64xf32, #tpu.memory_space<hbm>> -> memref<10000x64xf32, #tpu.memory_space<hbm>>
      tpu.wait_indirect_dma semaphore(%arg11 : memref<!tpu.dma_semaphore, #tpu.memory_space<semaphore_mem>>) src(%dma_wait3A_62 : memref<10000x64xf32, #tpu.memory_space<hbm>>) dst(%arg8 : memref<128x64xf32, #tpu.memory_space<vmem>>)
      "tpu.region"() ({
        %run_scoped3A = tpu.sem_alloc : memref<!tpu.dma_semaphore, #tpu.memory_space<semaphore_mem>>
        %dma_start3A_76 = arith.constant 0 : i32
        %dma_start3A_77 = tpu.memref_slice %arg7[%mul3A_49, %dma_start3A_76] : memref<80x128xi32, #tpu.memory_space<vmem>> -> memref<1x128xi32, #tpu.memory_space<vmem>>
        %dma_start3A_78 = tpu.memref_squeeze %dma_start3A_77 : memref<1x128xi32, #tpu.memory_space<vmem>> -> memref<128xi32, #tpu.memory_space<vmem>>
        %dma_start3A_79 = arith.constant 0 : i32
        %dma_start3A_80 = arith.constant 0 : i32
        %dma_start3A_81 = tpu.memref_slice %arg10[%dma_start3A_79, %dma_start3A_80] : memref<10240x64xf32, #tpu.memory_space<vmem_shared>> -> memref<10240x64xf32, #tpu.memory_space<vmem_shared>>
        tpu.enqueue_indirect_dma source(%arg8 : memref<128x64xf32, #tpu.memory_space<vmem>>) target(%dma_start3A_81 : memref<10240x64xf32, #tpu.memory_space<vmem_shared>>) offsets(%dma_start3A_78 : memref<128xi32, #tpu.memory_space<vmem>>) semaphore(%run_scoped3A : memref<!tpu.dma_semaphore, #tpu.memory_space<semaphore_mem>>) {add = true}
        %dma_wait3A_82 = arith.constant 0 : i32
        %dma_wait3A_83 = tpu.memref_slice %arg7[%mul3A_49, %dma_wait3A_82] : memref<80x128xi32, #tpu.memory_space<vmem>> -> memref<1x128xi32, #tpu.memory_space<vmem>>
        %dma_wait3A_84 = tpu.memref_squeeze %dma_wait3A_83 : memref<1x128xi32, #tpu.memory_space<vmem>> -> memref<128xi32, #tpu.memory_space<vmem>>
        %dma_wait3A_85 = arith.constant 0 : i32
        %dma_wait3A_86 = arith.constant 0 : i32
        %dma_wait3A_87 = tpu.memref_slice %arg10[%dma_wait3A_85, %dma_wait3A_86] : memref<10240x64xf32, #tpu.memory_space<vmem_shared>> -> memref<10240x64xf32, #tpu.memory_space<vmem_shared>>
        tpu.wait_indirect_dma semaphore(%run_scoped3A : memref<!tpu.dma_semaphore, #tpu.memory_space<semaphore_mem>>) src(%arg8 : memref<128x64xf32, #tpu.memory_space<vmem>>) dst(%dma_wait3A_87 : memref<10240x64xf32, #tpu.memory_space<vmem_shared>>)
        tpu.yield
      }) : () -> ()
      %lt3A = arith.constant 39 : i32
      %lt3A_63 = arith.cmpi slt, %scan3A_46, %lt3A : i32
      %convert_element_type3A = arith.extui %lt3A_63 : i1 to i32
      %cond3A = arith.constant 0 : i32
      %cond3A_64 = arith.cmpi ne, %convert_element_type3A, %cond3A : i32
      scf.if %cond3A_64 {
        %add3A_76 = arith.constant 2 : i32
        %add3A_77 = arith.addi %mul3A_49, %add3A_76 : i32
        %dma_start3A_78 = arith.constant 0 : i32
        %dma_start3A_79 = tpu.memref_slice %arg6[%add3A_77, %dma_start3A_78] : memref<80x128xi32, #tpu.memory_space<vmem>> -> memref<1x128xi32, #tpu.memory_space<vmem>>
        %dma_start3A_80 = tpu.memref_squeeze %dma_start3A_79 : memref<1x128xi32, #tpu.memory_space<vmem>> -> memref<128xi32, #tpu.memory_space<vmem>>
        %dma_start3A_81 = arith.constant 0 : i32
        %dma_start3A_82 = arith.constant 0 : i32
        %dma_start3A_83 = tpu.memref_slice %arg2[%dma_start3A_81, %dma_start3A_82] : memref<10000x64xf32, #tpu.memory_space<hbm>> -> memref<10000x64xf32, #tpu.memory_space<hbm>>
        tpu.enqueue_indirect_dma source(%dma_start3A_83 : memref<10000x64xf32, #tpu.memory_space<hbm>>) target(%arg8 : memref<128x64xf32, #tpu.memory_space<vmem>>) offsets(%dma_start3A_80 : memref<128xi32, #tpu.memory_space<vmem>>) semaphore(%arg11 : memref<!tpu.dma_semaphore, #tpu.memory_space<semaphore_mem>>)
      } else {
      }
      %add3A_65 = arith.constant 1 : i32
      %add3A_66 = arith.addi %mul3A_49, %add3A_65 : i32
      %dma_wait3A_67 = arith.constant 0 : i32
      %dma_wait3A_68 = tpu.memref_slice %arg6[%add3A_66, %dma_wait3A_67] : memref<80x128xi32, #tpu.memory_space<vmem>> -> memref<1x128xi32, #tpu.memory_space<vmem>>
      %dma_wait3A_69 = tpu.memref_squeeze %dma_wait3A_68 : memref<1x128xi32, #tpu.memory_space<vmem>> -> memref<128xi32, #tpu.memory_space<vmem>>
      %dma_wait3A_70 = arith.constant 0 : i32
      %dma_wait3A_71 = arith.constant 0 : i32
      %dma_wait3A_72 = tpu.memref_slice %arg2[%dma_wait3A_70, %dma_wait3A_71] : memref<10000x64xf32, #tpu.memory_space<hbm>> -> memref<10000x64xf32, #tpu.memory_space<hbm>>
      tpu.wait_indirect_dma semaphore(%arg12 : memref<!tpu.dma_semaphore, #tpu.memory_space<semaphore_mem>>) src(%dma_wait3A_72 : memref<10000x64xf32, #tpu.memory_space<hbm>>) dst(%arg9 : memref<128x64xf32, #tpu.memory_space<vmem>>)
      %add3A_73 = arith.constant 1 : i32
      %add3A_74 = arith.addi %mul3A_49, %add3A_73 : i32
      "tpu.region"() ({
        %run_scoped3A = tpu.sem_alloc : memref<!tpu.dma_semaphore, #tpu.memory_space<semaphore_mem>>
        %dma_start3A_76 = arith.constant 0 : i32
        %dma_start3A_77 = tpu.memref_slice %arg7[%add3A_74, %dma_start3A_76] : memref<80x128xi32, #tpu.memory_space<vmem>> -> memref<1x128xi32, #tpu.memory_space<vmem>>
        %dma_start3A_78 = tpu.memref_squeeze %dma_start3A_77 : memref<1x128xi32, #tpu.memory_space<vmem>> -> memref<128xi32, #tpu.memory_space<vmem>>
        %dma_start3A_79 = arith.constant 0 : i32
        %dma_start3A_80 = arith.constant 0 : i32
        %dma_start3A_81 = tpu.memref_slice %arg10[%dma_start3A_79, %dma_start3A_80] : memref<10240x64xf32, #tpu.memory_space<vmem_shared>> -> memref<10240x64xf32, #tpu.memory_space<vmem_shared>>
        tpu.enqueue_indirect_dma source(%arg9 : memref<128x64xf32, #tpu.memory_space<vmem>>) target(%dma_start3A_81 : memref<10240x64xf32, #tpu.memory_space<vmem_shared>>) offsets(%dma_start3A_78 : memref<128xi32, #tpu.memory_space<vmem>>) semaphore(%run_scoped3A : memref<!tpu.dma_semaphore, #tpu.memory_space<semaphore_mem>>) {add = true}
        %dma_wait3A_82 = arith.constant 0 : i32
        %dma_wait3A_83 = tpu.memref_slice %arg7[%add3A_74, %dma_wait3A_82] : memref<80x128xi32, #tpu.memory_space<vmem>> -> memref<1x128xi32, #tpu.memory_space<vmem>>
        %dma_wait3A_84 = tpu.memref_squeeze %dma_wait3A_83 : memref<1x128xi32, #tpu.memory_space<vmem>> -> memref<128xi32, #tpu.memory_space<vmem>>
        %dma_wait3A_85 = arith.constant 0 : i32
        %dma_wait3A_86 = arith.constant 0 : i32
        %dma_wait3A_87 = tpu.memref_slice %arg10[%dma_wait3A_85, %dma_wait3A_86] : memref<10240x64xf32, #tpu.memory_space<vmem_shared>> -> memref<10240x64xf32, #tpu.memory_space<vmem_shared>>
        tpu.wait_indirect_dma semaphore(%run_scoped3A : memref<!tpu.dma_semaphore, #tpu.memory_space<semaphore_mem>>) src(%arg9 : memref<128x64xf32, #tpu.memory_space<vmem>>) dst(%dma_wait3A_87 : memref<10240x64xf32, #tpu.memory_space<vmem_shared>>)
        tpu.yield
      }) : () -> ()
      %scan3A_75 = arith.constant 0 : i32
      scf.yield %scan3A_75 : i32
    }
    %scan3A_40 = arith.constant 40 : i32
    %barrier3A_41 = arith.constant 0 : index
    tpu.barrier barrier_id(%barrier3A_41)
    %mul3A_42 = arith.constant 640 : i32
    %mul3A_43 = arith.muli %arg1, %mul3A_42 : i32
    %mul3A_44 = arith.constant 640 : i32
    %mul3A_45 = arith.muli %arg1, %mul3A_44 : i32
    "tpu.region"() ({
      %run_scoped3A = tpu.sem_alloc : memref<!tpu.dma_semaphore, #tpu.memory_space<semaphore_mem>>
      %dma_start3A_46 = arith.constant 0 : i32
      %dma_start3A_47 = tpu.memref_slice %arg5[%arg0, %mul3A_45, %dma_start3A_46] : memref<2x10240x64xf32, #tpu.memory_space<hbm>> -> memref<1x640x64xf32, #tpu.memory_space<hbm>>
      %dma_start3A_48 = tpu.memref_squeeze %dma_start3A_47 : memref<1x640x64xf32, #tpu.memory_space<hbm>> -> memref<640x64xf32, #tpu.memory_space<hbm>>
      %dma_start3A_49 = arith.constant 0 : i32
      %dma_start3A_50 = tpu.memref_slice %arg10[%mul3A_43, %dma_start3A_49] : memref<10240x64xf32, #tpu.memory_space<vmem_shared>> -> memref<640x64xf32, #tpu.memory_space<vmem_shared>>
      tpu.enqueue_dma source(%dma_start3A_50 : memref<640x64xf32, #tpu.memory_space<vmem_shared>>) target(%dma_start3A_48 : memref<640x64xf32, #tpu.memory_space<hbm>>) target_semaphore(%run_scoped3A : memref<!tpu.dma_semaphore, #tpu.memory_space<semaphore_mem>>)
      %dma_wait3A = arith.constant 0 : i32
      %dma_wait3A_51 = tpu.memref_slice %arg5[%arg0, %mul3A_45, %dma_wait3A] : memref<2x10240x64xf32, #tpu.memory_space<hbm>> -> memref<1x640x64xf32, #tpu.memory_space<hbm>>
      %dma_wait3A_52 = tpu.memref_squeeze %dma_wait3A_51 : memref<1x640x64xf32, #tpu.memory_space<hbm>> -> memref<640x64xf32, #tpu.memory_space<hbm>>
      %dma_wait3A_53 = arith.constant 0 : i32
      %dma_wait3A_54 = tpu.memref_slice %arg10[%mul3A_43, %dma_wait3A_53] : memref<10240x64xf32, #tpu.memory_space<vmem_shared>> -> memref<640x64xf32, #tpu.memory_space<vmem_shared>>
      tpu.wait_dma2 semaphore(%run_scoped3A : memref<!tpu.dma_semaphore, #tpu.memory_space<semaphore_mem>>) src(%dma_wait3A_54 : memref<640x64xf32, #tpu.memory_space<vmem_shared>>) dst(%dma_wait3A_52 : memref<640x64xf32, #tpu.memory_space<hbm>>)
      tpu.yield
    }) : () -> ()
    return
  }
}

#map = affine_map<(d0, d1) -> (0, 0)>
#map1 = affine_map<(d0, d1) -> (0, 0, 0)>
module attributes {stable_mosaic.version = 14 : i64} {
  func.func @_sc_edge_pass(%arg0: i32, %arg1: i32, %arg2: memref<10000x64xf32, #tpu.memory_space<hbm>>, %arg3: memref<32x80x128xi32, #tpu.memory_space<hbm>>, %arg4: memref<32x80x128xi32, #tpu.memory_space<hbm>>, %arg5: memref<2x10240x64xf32, #tpu.memory_space<hbm>>, %arg6: memref<80x128xi32, #tpu.memory_space<vmem>>, %arg7: memref<80x128xi32, #tpu.memory_space<vmem>>, %arg8: memref<128x64xf32, #tpu.memory_space<vmem>>, %arg9: memref<128x64xf32, #tpu.memory_space<vmem>>, %arg10: memref<10240x64xf32, #tpu.memory_space<vmem_shared>>, %arg11: memref<!tpu.dma_semaphore, #tpu.memory_space<semaphore_mem>>, %arg12: memref<!tpu.dma_semaphore, #tpu.memory_space<semaphore_mem>>) attributes {dimension_semantics = [#tpu.dimension_semantics<core_parallel>, #tpu.dimension_semantics<subcore_parallel>], iteration_bounds = array<i64: 2, 16>, scalar_prefetch = 0 : i64, scratch_operands = 7 : i64, tpu.core_type = #tpu.core_type<sc_vector_subcore>, window_params = [{transform_indices = #map}, {transform_indices = #map1}, {transform_indices = #map1}, {transform_indices = #map1}]} {
    %mul3A = arith.constant 16 : i32
    %mul3A_0 = arith.muli %arg0, %mul3A : i32
    %add3A = arith.addi %mul3A_0, %arg1 : i32
    %broadcast_in_dim3A = arith.constant 0.000000e+00 : f32
    %broadcast_in_dim3A_1 = vector.broadcast %broadcast_in_dim3A : f32 to vector<16xf32>
    %scan3A = arith.constant 0 : i32
    %scan3A_2 = arith.constant 0 : i32
    %scan3A_3 = arith.constant 128 : i32
    %scan3A_4 = arith.addi %scan3A_2, %scan3A_3 : i32
    %scan3A_5 = arith.constant 1 : i32
    %scan3A_6 = scf.for %scan3A_46 = %scan3A_2 to %scan3A_4 step %scan3A_5 iter_args(%scan3A_47 = %scan3A) -> (i32)  : i32 {
      %swap3A = arith.index_cast %scan3A_46 : i32 to index
      %swap3A_48 = arith.constant 0 : index
      %swap3A_49 = tpu.vector_load %arg8[%swap3A, %swap3A_48] {strides = array<i32>} : memref<128x64xf32, #tpu.memory_space<vmem>>, vector<1x16xf32>,
      %swap3A_50 = vector.shape_cast %swap3A_49 : vector<1x16xf32> to vector<16xf32>
      %swap3A_51 = vector.shape_cast %broadcast_in_dim3A_1 : vector<16xf32> to vector<1x16xf32>
      tpu.vector_store %arg8[%swap3A, %swap3A_48], %swap3A_51 {strides = array<i32>} : memref<128x64xf32, #tpu.memory_space<vmem>>, vector<1x16xf32>,
      %swap3A_52 = arith.index_cast %scan3A_46 : i32 to index
      %swap3A_53 = arith.constant 16 : index
      %swap3A_54 = tpu.vector_load %arg8[%swap3A_52, %swap3A_53] {strides = array<i32>} : memref<128x64xf32, #tpu.memory_space<vmem>>, vector<1x16xf32>,
      %swap3A_55 = vector.shape_cast %swap3A_54 : vector<1x16xf32> to vector<16xf32>
      %swap3A_56 = vector.shape_cast %broadcast_in_dim3A_1 : vector<16xf32> to vector<1x16xf32>
      tpu.vector_store %arg8[%swap3A_52, %swap3A_53], %swap3A_56 {strides = array<i32>} : memref<128x64xf32, #tpu.memory_space<vmem>>, vector<1x16xf32>,
      %swap3A_57 = arith.index_cast %scan3A_46 : i32 to index
      %swap3A_58 = arith.constant 32 : index
      %swap3A_59 = tpu.vector_load %arg8[%swap3A_57, %swap3A_58] {strides = array<i32>} : memref<128x64xf32, #tpu.memory_space<vmem>>, vector<1x16xf32>,
      %swap3A_60 = vector.shape_cast %swap3A_59 : vector<1x16xf32> to vector<16xf32>
      %swap3A_61 = vector.shape_cast %broadcast_in_dim3A_1 : vector<16xf32> to vector<1x16xf32>
      tpu.vector_store %arg8[%swap3A_57, %swap3A_58], %swap3A_61 {strides = array<i32>} : memref<128x64xf32, #tpu.memory_space<vmem>>, vector<1x16xf32>,
      %swap3A_62 = arith.index_cast %scan3A_46 : i32 to index
      %swap3A_63 = arith.constant 48 : index
      %swap3A_64 = tpu.vector_load %arg8[%swap3A_62, %swap3A_63] {strides = array<i32>} : memref<128x64xf32, #tpu.memory_space<vmem>>, vector<1x16xf32>,
      %swap3A_65 = vector.shape_cast %swap3A_64 : vector<1x16xf32> to vector<16xf32>
      %swap3A_66 = vector.shape_cast %broadcast_in_dim3A_1 : vector<16xf32> to vector<1x16xf32>
      tpu.vector_store %arg8[%swap3A_62, %swap3A_63], %swap3A_66 {strides = array<i32>} : memref<128x64xf32, #tpu.memory_space<vmem>>, vector<1x16xf32>,
      %scan3A_67 = arith.constant 0 : i32
      scf.yield %scan3A_67 : i32
    }
    %scan3A_7 = arith.constant 128 : i32
    %mul3A_8 = arith.constant 640 : i32
    %mul3A_9 = arith.muli %arg1, %mul3A_8 : i32
    %add3A_10 = arith.constant 0 : i32
    %add3A_11 = arith.addi %mul3A_9, %add3A_10 : i32
    "tpu.region"() ({
      %run_scoped3A = tpu.sem_alloc : memref<!tpu.dma_semaphore, #tpu.memory_space<semaphore_mem>>
      %dma_start3A_46 = arith.constant 0 : i32
      %dma_start3A_47 = arith.constant 0 : i32
      %dma_start3A_48 = tpu.memref_slice %arg8[%dma_start3A_46, %dma_start3A_47] : memref<128x64xf32, #tpu.memory_space<vmem>> -> memref<128x64xf32, #tpu.memory_space<vmem>>
      %dma_start3A_49 = arith.constant 0 : i32
      %dma_start3A_50 = tpu.memref_slice %arg10[%add3A_11, %dma_start3A_49] : memref<10240x64xf32, #tpu.memory_space<vmem_shared>> -> memref<128x64xf32, #tpu.memory_space<vmem_shared>>
      %dma_start3A_51 = arith.constant 0 : i32
      %dma_start3A_52 = tpu.memref_slice %arg10[%add3A_11, %dma_start3A_51] : memref<10240x64xf32, #tpu.memory_space<vmem_shared>> -> memref<128x64xf32, #tpu.memory_space<vmem_shared>>
      %dma_start3A_53 = arith.constant 0 : i32
      %dma_start3A_54 = arith.constant 0 : i32
      %dma_start3A_55 = tpu.memref_slice %arg8[%dma_start3A_53, %dma_start3A_54] : memref<128x64xf32, #tpu.memory_space<vmem>> -> memref<128x64xf32, #tpu.memory_space<vmem>>
      tpu.enqueue_dma source(%dma_start3A_55 : memref<128x64xf32, #tpu.memory_space<vmem>>) target(%dma_start3A_52 : memref<128x64xf32, #tpu.memory_space<vmem_shared>>) target_semaphore(%run_scoped3A : memref<!tpu.dma_semaphore, #tpu.memory_space<semaphore_mem>>)
      %dma_wait3A = arith.constant 0 : i32
      %dma_wait3A_56 = arith.constant 0 : i32
      %dma_wait3A_57 = tpu.memref_slice %arg8[%dma_wait3A, %dma_wait3A_56] : memref<128x64xf32, #tpu.memory_space<vmem>> -> memref<128x64xf32, #tpu.memory_space<vmem>>
      %dma_wait3A_58 = arith.constant 0 : i32
      %dma_wait3A_59 = tpu.memref_slice %arg10[%add3A_11, %dma_wait3A_58] : memref<10240x64xf32, #tpu.memory_space<vmem_shared>> -> memref<128x64xf32, #tpu.memory_space<vmem_shared>>
      %dma_wait3A_60 = arith.constant 0 : i32
      %dma_wait3A_61 = tpu.memref_slice %arg10[%add3A_11, %dma_wait3A_60] : memref<10240x64xf32, #tpu.memory_space<vmem_shared>> -> memref<128x64xf32, #tpu.memory_space<vmem_shared>>
      %dma_wait3A_62 = arith.constant 0 : i32
      %dma_wait3A_63 = arith.constant 0 : i32
      %dma_wait3A_64 = tpu.memref_slice %arg8[%dma_wait3A_62, %dma_wait3A_63] : memref<128x64xf32, #tpu.memory_space<vmem>> -> memref<128x64xf32, #tpu.memory_space<vmem>>
      tpu.wait_dma2 semaphore(%run_scoped3A : memref<!tpu.dma_semaphore, #tpu.memory_space<semaphore_mem>>) src(%dma_wait3A_64 : memref<128x64xf32, #tpu.memory_space<vmem>>) dst(%dma_wait3A_61 : memref<128x64xf32, #tpu.memory_space<vmem_shared>>)
      tpu.yield
    }) : () -> ()
    %mul3A_12 = arith.constant 640 : i32
    %mul3A_13 = arith.muli %arg1, %mul3A_12 : i32
    %add3A_14 = arith.constant 128 : i32
    %add3A_15 = arith.addi %mul3A_13, %add3A_14 : i32
    "tpu.region"() ({
      %run_scoped3A = tpu.sem_alloc : memref<!tpu.dma_semaphore, #tpu.memory_space<semaphore_mem>>
      %dma_start3A_46 = arith.constant 0 : i32
      %dma_start3A_47 = arith.constant 0 : i32
      %dma_start3A_48 = tpu.memref_slice %arg8[%dma_start3A_46, %dma_start3A_47] : memref<128x64xf32, #tpu.memory_space<vmem>> -> memref<128x64xf32, #tpu.memory_space<vmem>>
      %dma_start3A_49 = arith.constant 0 : i32
      %dma_start3A_50 = tpu.memref_slice %arg10[%add3A_15, %dma_start3A_49] : memref<10240x64xf32, #tpu.memory_space<vmem_shared>> -> memref<128x64xf32, #tpu.memory_space<vmem_shared>>
      %dma_start3A_51 = arith.constant 0 : i32
      %dma_start3A_52 = tpu.memref_slice %arg10[%add3A_15, %dma_start3A_51] : memref<10240x64xf32, #tpu.memory_space<vmem_shared>> -> memref<128x64xf32, #tpu.memory_space<vmem_shared>>
      %dma_start3A_53 = arith.constant 0 : i32
      %dma_start3A_54 = arith.constant 0 : i32
      %dma_start3A_55 = tpu.memref_slice %arg8[%dma_start3A_53, %dma_start3A_54] : memref<128x64xf32, #tpu.memory_space<vmem>> -> memref<128x64xf32, #tpu.memory_space<vmem>>
      tpu.enqueue_dma source(%dma_start3A_55 : memref<128x64xf32, #tpu.memory_space<vmem>>) target(%dma_start3A_52 : memref<128x64xf32, #tpu.memory_space<vmem_shared>>) target_semaphore(%run_scoped3A : memref<!tpu.dma_semaphore, #tpu.memory_space<semaphore_mem>>)
      %dma_wait3A = arith.constant 0 : i32
      %dma_wait3A_56 = arith.constant 0 : i32
      %dma_wait3A_57 = tpu.memref_slice %arg8[%dma_wait3A, %dma_wait3A_56] : memref<128x64xf32, #tpu.memory_space<vmem>> -> memref<128x64xf32, #tpu.memory_space<vmem>>
      %dma_wait3A_58 = arith.constant 0 : i32
      %dma_wait3A_59 = tpu.memref_slice %arg10[%add3A_15, %dma_wait3A_58] : memref<10240x64xf32, #tpu.memory_space<vmem_shared>> -> memref<128x64xf32, #tpu.memory_space<vmem_shared>>
      %dma_wait3A_60 = arith.constant 0 : i32
      %dma_wait3A_61 = tpu.memref_slice %arg10[%add3A_15, %dma_wait3A_60] : memref<10240x64xf32, #tpu.memory_space<vmem_shared>> -> memref<128x64xf32, #tpu.memory_space<vmem_shared>>
      %dma_wait3A_62 = arith.constant 0 : i32
      %dma_wait3A_63 = arith.constant 0 : i32
      %dma_wait3A_64 = tpu.memref_slice %arg8[%dma_wait3A_62, %dma_wait3A_63] : memref<128x64xf32, #tpu.memory_space<vmem>> -> memref<128x64xf32, #tpu.memory_space<vmem>>
      tpu.wait_dma2 semaphore(%run_scoped3A : memref<!tpu.dma_semaphore, #tpu.memory_space<semaphore_mem>>) src(%dma_wait3A_64 : memref<128x64xf32, #tpu.memory_space<vmem>>) dst(%dma_wait3A_61 : memref<128x64xf32, #tpu.memory_space<vmem_shared>>)
      tpu.yield
    }) : () -> ()
    %mul3A_16 = arith.constant 640 : i32
    %mul3A_17 = arith.muli %arg1, %mul3A_16 : i32
    %add3A_18 = arith.constant 256 : i32
    %add3A_19 = arith.addi %mul3A_17, %add3A_18 : i32
    "tpu.region"() ({
      %run_scoped3A = tpu.sem_alloc : memref<!tpu.dma_semaphore, #tpu.memory_space<semaphore_mem>>
      %dma_start3A_46 = arith.constant 0 : i32
      %dma_start3A_47 = arith.constant 0 : i32
      %dma_start3A_48 = tpu.memref_slice %arg8[%dma_start3A_46, %dma_start3A_47] : memref<128x64xf32, #tpu.memory_space<vmem>> -> memref<128x64xf32, #tpu.memory_space<vmem>>
      %dma_start3A_49 = arith.constant 0 : i32
      %dma_start3A_50 = tpu.memref_slice %arg10[%add3A_19, %dma_start3A_49] : memref<10240x64xf32, #tpu.memory_space<vmem_shared>> -> memref<128x64xf32, #tpu.memory_space<vmem_shared>>
      %dma_start3A_51 = arith.constant 0 : i32
      %dma_start3A_52 = tpu.memref_slice %arg10[%add3A_19, %dma_start3A_51] : memref<10240x64xf32, #tpu.memory_space<vmem_shared>> -> memref<128x64xf32, #tpu.memory_space<vmem_shared>>
      %dma_start3A_53 = arith.constant 0 : i32
      %dma_start3A_54 = arith.constant 0 : i32
      %dma_start3A_55 = tpu.memref_slice %arg8[%dma_start3A_53, %dma_start3A_54] : memref<128x64xf32, #tpu.memory_space<vmem>> -> memref<128x64xf32, #tpu.memory_space<vmem>>
      tpu.enqueue_dma source(%dma_start3A_55 : memref<128x64xf32, #tpu.memory_space<vmem>>) target(%dma_start3A_52 : memref<128x64xf32, #tpu.memory_space<vmem_shared>>) target_semaphore(%run_scoped3A : memref<!tpu.dma_semaphore, #tpu.memory_space<semaphore_mem>>)
      %dma_wait3A = arith.constant 0 : i32
      %dma_wait3A_56 = arith.constant 0 : i32
      %dma_wait3A_57 = tpu.memref_slice %arg8[%dma_wait3A, %dma_wait3A_56] : memref<128x64xf32, #tpu.memory_space<vmem>> -> memref<128x64xf32, #tpu.memory_space<vmem>>
      %dma_wait3A_58 = arith.constant 0 : i32
      %dma_wait3A_59 = tpu.memref_slice %arg10[%add3A_19, %dma_wait3A_58] : memref<10240x64xf32, #tpu.memory_space<vmem_shared>> -> memref<128x64xf32, #tpu.memory_space<vmem_shared>>
      %dma_wait3A_60 = arith.constant 0 : i32
      %dma_wait3A_61 = tpu.memref_slice %arg10[%add3A_19, %dma_wait3A_60] : memref<10240x64xf32, #tpu.memory_space<vmem_shared>> -> memref<128x64xf32, #tpu.memory_space<vmem_shared>>
      %dma_wait3A_62 = arith.constant 0 : i32
      %dma_wait3A_63 = arith.constant 0 : i32
      %dma_wait3A_64 = tpu.memref_slice %arg8[%dma_wait3A_62, %dma_wait3A_63] : memref<128x64xf32, #tpu.memory_space<vmem>> -> memref<128x64xf32, #tpu.memory_space<vmem>>
      tpu.wait_dma2 semaphore(%run_scoped3A : memref<!tpu.dma_semaphore, #tpu.memory_space<semaphore_mem>>) src(%dma_wait3A_64 : memref<128x64xf32, #tpu.memory_space<vmem>>) dst(%dma_wait3A_61 : memref<128x64xf32, #tpu.memory_space<vmem_shared>>)
      tpu.yield
    }) : () -> ()
    %mul3A_20 = arith.constant 640 : i32
    %mul3A_21 = arith.muli %arg1, %mul3A_20 : i32
    %add3A_22 = arith.constant 384 : i32
    %add3A_23 = arith.addi %mul3A_21, %add3A_22 : i32
    "tpu.region"() ({
      %run_scoped3A = tpu.sem_alloc : memref<!tpu.dma_semaphore, #tpu.memory_space<semaphore_mem>>
      %dma_start3A_46 = arith.constant 0 : i32
      %dma_start3A_47 = arith.constant 0 : i32
      %dma_start3A_48 = tpu.memref_slice %arg8[%dma_start3A_46, %dma_start3A_47] : memref<128x64xf32, #tpu.memory_space<vmem>> -> memref<128x64xf32, #tpu.memory_space<vmem>>
      %dma_start3A_49 = arith.constant 0 : i32
      %dma_start3A_50 = tpu.memref_slice %arg10[%add3A_23, %dma_start3A_49] : memref<10240x64xf32, #tpu.memory_space<vmem_shared>> -> memref<128x64xf32, #tpu.memory_space<vmem_shared>>
      %dma_start3A_51 = arith.constant 0 : i32
      %dma_start3A_52 = tpu.memref_slice %arg10[%add3A_23, %dma_start3A_51] : memref<10240x64xf32, #tpu.memory_space<vmem_shared>> -> memref<128x64xf32, #tpu.memory_space<vmem_shared>>
      %dma_start3A_53 = arith.constant 0 : i32
      %dma_start3A_54 = arith.constant 0 : i32
      %dma_start3A_55 = tpu.memref_slice %arg8[%dma_start3A_53, %dma_start3A_54] : memref<128x64xf32, #tpu.memory_space<vmem>> -> memref<128x64xf32, #tpu.memory_space<vmem>>
      tpu.enqueue_dma source(%dma_start3A_55 : memref<128x64xf32, #tpu.memory_space<vmem>>) target(%dma_start3A_52 : memref<128x64xf32, #tpu.memory_space<vmem_shared>>) target_semaphore(%run_scoped3A : memref<!tpu.dma_semaphore, #tpu.memory_space<semaphore_mem>>)
      %dma_wait3A = arith.constant 0 : i32
      %dma_wait3A_56 = arith.constant 0 : i32
      %dma_wait3A_57 = tpu.memref_slice %arg8[%dma_wait3A, %dma_wait3A_56] : memref<128x64xf32, #tpu.memory_space<vmem>> -> memref<128x64xf32, #tpu.memory_space<vmem>>
      %dma_wait3A_58 = arith.constant 0 : i32
      %dma_wait3A_59 = tpu.memref_slice %arg10[%add3A_23, %dma_wait3A_58] : memref<10240x64xf32, #tpu.memory_space<vmem_shared>> -> memref<128x64xf32, #tpu.memory_space<vmem_shared>>
      %dma_wait3A_60 = arith.constant 0 : i32
      %dma_wait3A_61 = tpu.memref_slice %arg10[%add3A_23, %dma_wait3A_60] : memref<10240x64xf32, #tpu.memory_space<vmem_shared>> -> memref<128x64xf32, #tpu.memory_space<vmem_shared>>
      %dma_wait3A_62 = arith.constant 0 : i32
      %dma_wait3A_63 = arith.constant 0 : i32
      %dma_wait3A_64 = tpu.memref_slice %arg8[%dma_wait3A_62, %dma_wait3A_63] : memref<128x64xf32, #tpu.memory_space<vmem>> -> memref<128x64xf32, #tpu.memory_space<vmem>>
      tpu.wait_dma2 semaphore(%run_scoped3A : memref<!tpu.dma_semaphore, #tpu.memory_space<semaphore_mem>>) src(%dma_wait3A_64 : memref<128x64xf32, #tpu.memory_space<vmem>>) dst(%dma_wait3A_61 : memref<128x64xf32, #tpu.memory_space<vmem_shared>>)
      tpu.yield
    }) : () -> ()
    %mul3A_24 = arith.constant 640 : i32
    %mul3A_25 = arith.muli %arg1, %mul3A_24 : i32
    %add3A_26 = arith.constant 512 : i32
    %add3A_27 = arith.addi %mul3A_25, %add3A_26 : i32
    "tpu.region"() ({
      %run_scoped3A = tpu.sem_alloc : memref<!tpu.dma_semaphore, #tpu.memory_space<semaphore_mem>>
      %dma_start3A_46 = arith.constant 0 : i32
      %dma_start3A_47 = arith.constant 0 : i32
      %dma_start3A_48 = tpu.memref_slice %arg8[%dma_start3A_46, %dma_start3A_47] : memref<128x64xf32, #tpu.memory_space<vmem>> -> memref<128x64xf32, #tpu.memory_space<vmem>>
      %dma_start3A_49 = arith.constant 0 : i32
      %dma_start3A_50 = tpu.memref_slice %arg10[%add3A_27, %dma_start3A_49] : memref<10240x64xf32, #tpu.memory_space<vmem_shared>> -> memref<128x64xf32, #tpu.memory_space<vmem_shared>>
      %dma_start3A_51 = arith.constant 0 : i32
      %dma_start3A_52 = tpu.memref_slice %arg10[%add3A_27, %dma_start3A_51] : memref<10240x64xf32, #tpu.memory_space<vmem_shared>> -> memref<128x64xf32, #tpu.memory_space<vmem_shared>>
      %dma_start3A_53 = arith.constant 0 : i32
      %dma_start3A_54 = arith.constant 0 : i32
      %dma_start3A_55 = tpu.memref_slice %arg8[%dma_start3A_53, %dma_start3A_54] : memref<128x64xf32, #tpu.memory_space<vmem>> -> memref<128x64xf32, #tpu.memory_space<vmem>>
      tpu.enqueue_dma source(%dma_start3A_55 : memref<128x64xf32, #tpu.memory_space<vmem>>) target(%dma_start3A_52 : memref<128x64xf32, #tpu.memory_space<vmem_shared>>) target_semaphore(%run_scoped3A : memref<!tpu.dma_semaphore, #tpu.memory_space<semaphore_mem>>)
      %dma_wait3A = arith.constant 0 : i32
      %dma_wait3A_56 = arith.constant 0 : i32
      %dma_wait3A_57 = tpu.memref_slice %arg8[%dma_wait3A, %dma_wait3A_56] : memref<128x64xf32, #tpu.memory_space<vmem>> -> memref<128x64xf32, #tpu.memory_space<vmem>>
      %dma_wait3A_58 = arith.constant 0 : i32
      %dma_wait3A_59 = tpu.memref_slice %arg10[%add3A_27, %dma_wait3A_58] : memref<10240x64xf32, #tpu.memory_space<vmem_shared>> -> memref<128x64xf32, #tpu.memory_space<vmem_shared>>
      %dma_wait3A_60 = arith.constant 0 : i32
      %dma_wait3A_61 = tpu.memref_slice %arg10[%add3A_27, %dma_wait3A_60] : memref<10240x64xf32, #tpu.memory_space<vmem_shared>> -> memref<128x64xf32, #tpu.memory_space<vmem_shared>>
      %dma_wait3A_62 = arith.constant 0 : i32
      %dma_wait3A_63 = arith.constant 0 : i32
      %dma_wait3A_64 = tpu.memref_slice %arg8[%dma_wait3A_62, %dma_wait3A_63] : memref<128x64xf32, #tpu.memory_space<vmem>> -> memref<128x64xf32, #tpu.memory_space<vmem>>
      tpu.wait_dma2 semaphore(%run_scoped3A : memref<!tpu.dma_semaphore, #tpu.memory_space<semaphore_mem>>) src(%dma_wait3A_64 : memref<128x64xf32, #tpu.memory_space<vmem>>) dst(%dma_wait3A_61 : memref<128x64xf32, #tpu.memory_space<vmem_shared>>)
      tpu.yield
    }) : () -> ()
    %barrier3A = arith.constant 0 : index
    tpu.barrier barrier_id(%barrier3A)
    "tpu.region"() ({
      %run_scoped3A = tpu.sem_alloc : memref<!tpu.dma_semaphore, #tpu.memory_space<semaphore_mem>>
      %dma_start3A_46 = arith.constant 0 : i32
      %dma_start3A_47 = arith.constant 0 : i32
      %dma_start3A_48 = tpu.memref_slice %arg3[%add3A, %dma_start3A_46, %dma_start3A_47] : memref<32x80x128xi32, #tpu.memory_space<hbm>> -> memref<1x80x128xi32, #tpu.memory_space<hbm>>
      %dma_start3A_49 = tpu.memref_squeeze %dma_start3A_48 : memref<1x80x128xi32, #tpu.memory_space<hbm>> -> memref<80x128xi32, #tpu.memory_space<hbm>>
      %dma_start3A_50 = arith.constant 0 : i32
      %dma_start3A_51 = arith.constant 0 : i32
      %dma_start3A_52 = tpu.memref_slice %arg3[%add3A, %dma_start3A_50, %dma_start3A_51] : memref<32x80x128xi32, #tpu.memory_space<hbm>> -> memref<1x80x128xi32, #tpu.memory_space<hbm>>
      %dma_start3A_53 = tpu.memref_squeeze %dma_start3A_52 : memref<1x80x128xi32, #tpu.memory_space<hbm>> -> memref<80x128xi32, #tpu.memory_space<hbm>>
      tpu.enqueue_dma source(%dma_start3A_53 : memref<80x128xi32, #tpu.memory_space<hbm>>) target(%arg6 : memref<80x128xi32, #tpu.memory_space<vmem>>) target_semaphore(%run_scoped3A : memref<!tpu.dma_semaphore, #tpu.memory_space<semaphore_mem>>)
      %dma_wait3A = arith.constant 0 : i32
      %dma_wait3A_54 = arith.constant 0 : i32
      %dma_wait3A_55 = tpu.memref_slice %arg3[%add3A, %dma_wait3A, %dma_wait3A_54] : memref<32x80x128xi32, #tpu.memory_space<hbm>> -> memref<1x80x128xi32, #tpu.memory_space<hbm>>
      %dma_wait3A_56 = tpu.memref_squeeze %dma_wait3A_55 : memref<1x80x128xi32, #tpu.memory_space<hbm>> -> memref<80x128xi32, #tpu.memory_space<hbm>>
      %dma_wait3A_57 = arith.constant 0 : i32
      %dma_wait3A_58 = arith.constant 0 : i32
      %dma_wait3A_59 = tpu.memref_slice %arg3[%add3A, %dma_wait3A_57, %dma_wait3A_58] : memref<32x80x128xi32, #tpu.memory_space<hbm>> -> memref<1x80x128xi32, #tpu.memory_space<hbm>>
      %dma_wait3A_60 = tpu.memref_squeeze %dma_wait3A_59 : memref<1x80x128xi32, #tpu.memory_space<hbm>> -> memref<80x128xi32, #tpu.memory_space<hbm>>
      tpu.wait_dma2 semaphore(%run_scoped3A : memref<!tpu.dma_semaphore, #tpu.memory_space<semaphore_mem>>) src(%dma_wait3A_60 : memref<80x128xi32, #tpu.memory_space<hbm>>) dst(%arg6 : memref<80x128xi32, #tpu.memory_space<vmem>>)
      tpu.yield
    }) : () -> ()
    "tpu.region"() ({
      %run_scoped3A = tpu.sem_alloc : memref<!tpu.dma_semaphore, #tpu.memory_space<semaphore_mem>>
      %dma_start3A_46 = arith.constant 0 : i32
      %dma_start3A_47 = arith.constant 0 : i32
      %dma_start3A_48 = tpu.memref_slice %arg4[%add3A, %dma_start3A_46, %dma_start3A_47] : memref<32x80x128xi32, #tpu.memory_space<hbm>> -> memref<1x80x128xi32, #tpu.memory_space<hbm>>
      %dma_start3A_49 = tpu.memref_squeeze %dma_start3A_48 : memref<1x80x128xi32, #tpu.memory_space<hbm>> -> memref<80x128xi32, #tpu.memory_space<hbm>>
      %dma_start3A_50 = arith.constant 0 : i32
      %dma_start3A_51 = arith.constant 0 : i32
      %dma_start3A_52 = tpu.memref_slice %arg4[%add3A, %dma_start3A_50, %dma_start3A_51] : memref<32x80x128xi32, #tpu.memory_space<hbm>> -> memref<1x80x128xi32, #tpu.memory_space<hbm>>
      %dma_start3A_53 = tpu.memref_squeeze %dma_start3A_52 : memref<1x80x128xi32, #tpu.memory_space<hbm>> -> memref<80x128xi32, #tpu.memory_space<hbm>>
      tpu.enqueue_dma source(%dma_start3A_53 : memref<80x128xi32, #tpu.memory_space<hbm>>) target(%arg7 : memref<80x128xi32, #tpu.memory_space<vmem>>) target_semaphore(%run_scoped3A : memref<!tpu.dma_semaphore, #tpu.memory_space<semaphore_mem>>)
      %dma_wait3A = arith.constant 0 : i32
      %dma_wait3A_54 = arith.constant 0 : i32
      %dma_wait3A_55 = tpu.memref_slice %arg4[%add3A, %dma_wait3A, %dma_wait3A_54] : memref<32x80x128xi32, #tpu.memory_space<hbm>> -> memref<1x80x128xi32, #tpu.memory_space<hbm>>
      %dma_wait3A_56 = tpu.memref_squeeze %dma_wait3A_55 : memref<1x80x128xi32, #tpu.memory_space<hbm>> -> memref<80x128xi32, #tpu.memory_space<hbm>>
      %dma_wait3A_57 = arith.constant 0 : i32
      %dma_wait3A_58 = arith.constant 0 : i32
      %dma_wait3A_59 = tpu.memref_slice %arg4[%add3A, %dma_wait3A_57, %dma_wait3A_58] : memref<32x80x128xi32, #tpu.memory_space<hbm>> -> memref<1x80x128xi32, #tpu.memory_space<hbm>>
      %dma_wait3A_60 = tpu.memref_squeeze %dma_wait3A_59 : memref<1x80x128xi32, #tpu.memory_space<hbm>> -> memref<80x128xi32, #tpu.memory_space<hbm>>
      tpu.wait_dma2 semaphore(%run_scoped3A : memref<!tpu.dma_semaphore, #tpu.memory_space<semaphore_mem>>) src(%dma_wait3A_60 : memref<80x128xi32, #tpu.memory_space<hbm>>) dst(%arg7 : memref<80x128xi32, #tpu.memory_space<vmem>>)
      tpu.yield
    }) : () -> ()
    %dma_start3A = arith.constant 0 : i32
    %dma_start3A_28 = arith.constant 0 : i32
    %dma_start3A_29 = tpu.memref_slice %arg6[%dma_start3A, %dma_start3A_28] : memref<80x128xi32, #tpu.memory_space<vmem>> -> memref<1x128xi32, #tpu.memory_space<vmem>>
    %dma_start3A_30 = tpu.memref_squeeze %dma_start3A_29 : memref<1x128xi32, #tpu.memory_space<vmem>> -> memref<128xi32, #tpu.memory_space<vmem>>
    %dma_start3A_31 = arith.constant 0 : i32
    %dma_start3A_32 = arith.constant 0 : i32
    %dma_start3A_33 = tpu.memref_slice %arg2[%dma_start3A_31, %dma_start3A_32] : memref<10000x64xf32, #tpu.memory_space<hbm>> -> memref<10000x64xf32, #tpu.memory_space<hbm>>
    tpu.enqueue_indirect_dma source(%dma_start3A_33 : memref<10000x64xf32, #tpu.memory_space<hbm>>) target(%arg8 : memref<128x64xf32, #tpu.memory_space<vmem>>) offsets(%dma_start3A_30 : memref<128xi32, #tpu.memory_space<vmem>>) semaphore(%arg11 : memref<!tpu.dma_semaphore, #tpu.memory_space<semaphore_mem>>)
    %scan3A_34 = arith.constant 0 : i32
    %scan3A_35 = arith.constant 0 : i32
    %scan3A_36 = arith.constant 40 : i32
    %scan3A_37 = arith.addi %scan3A_35, %scan3A_36 : i32
    %scan3A_38 = arith.constant 1 : i32
    %scan3A_39 = scf.for %scan3A_46 = %scan3A_35 to %scan3A_37 step %scan3A_38 iter_args(%scan3A_47 = %scan3A_34) -> (i32)  : i32 {
      %mul3A_48 = arith.constant 2 : i32
      %mul3A_49 = arith.muli %mul3A_48, %scan3A_46 : i32
      %add3A_50 = arith.constant 1 : i32
      %add3A_51 = arith.addi %mul3A_49, %add3A_50 : i32
      %dma_start3A_52 = arith.constant 0 : i32
      %dma_start3A_53 = tpu.memref_slice %arg6[%add3A_51, %dma_start3A_52] : memref<80x128xi32, #tpu.memory_space<vmem>> -> memref<1x128xi32, #tpu.memory_space<vmem>>
      %dma_start3A_54 = tpu.memref_squeeze %dma_start3A_53 : memref<1x128xi32, #tpu.memory_space<vmem>> -> memref<128xi32, #tpu.memory_space<vmem>>
      %dma_start3A_55 = arith.constant 0 : i32
      %dma_start3A_56 = arith.constant 0 : i32
      %dma_start3A_57 = tpu.memref_slice %arg2[%dma_start3A_55, %dma_start3A_56] : memref<10000x64xf32, #tpu.memory_space<hbm>> -> memref<10000x64xf32, #tpu.memory_space<hbm>>
      tpu.enqueue_indirect_dma source(%dma_start3A_57 : memref<10000x64xf32, #tpu.memory_space<hbm>>) target(%arg9 : memref<128x64xf32, #tpu.memory_space<vmem>>) offsets(%dma_start3A_54 : memref<128xi32, #tpu.memory_space<vmem>>) semaphore(%arg12 : memref<!tpu.dma_semaphore, #tpu.memory_space<semaphore_mem>>)
      %dma_wait3A = arith.constant 0 : i32
      %dma_wait3A_58 = tpu.memref_slice %arg6[%mul3A_49, %dma_wait3A] : memref<80x128xi32, #tpu.memory_space<vmem>> -> memref<1x128xi32, #tpu.memory_space<vmem>>
      %dma_wait3A_59 = tpu.memref_squeeze %dma_wait3A_58 : memref<1x128xi32, #tpu.memory_space<vmem>> -> memref<128xi32, #tpu.memory_space<vmem>>
      %dma_wait3A_60 = arith.constant 0 : i32
      %dma_wait3A_61 = arith.constant 0 : i32
      %dma_wait3A_62 = tpu.memref_slice %arg2[%dma_wait3A_60, %dma_wait3A_61] : memref<10000x64xf32, #tpu.memory_space<hbm>> -> memref<10000x64xf32, #tpu.memory_space<hbm>>
      tpu.wait_indirect_dma semaphore(%arg11 : memref<!tpu.dma_semaphore, #tpu.memory_space<semaphore_mem>>) src(%dma_wait3A_62 : memref<10000x64xf32, #tpu.memory_space<hbm>>) dst(%arg8 : memref<128x64xf32, #tpu.memory_space<vmem>>)
      "tpu.region"() ({
        %run_scoped3A = tpu.sem_alloc : memref<!tpu.dma_semaphore, #tpu.memory_space<semaphore_mem>>
        %dma_start3A_76 = arith.constant 0 : i32
        %dma_start3A_77 = tpu.memref_slice %arg7[%mul3A_49, %dma_start3A_76] : memref<80x128xi32, #tpu.memory_space<vmem>> -> memref<1x128xi32, #tpu.memory_space<vmem>>
        %dma_start3A_78 = tpu.memref_squeeze %dma_start3A_77 : memref<1x128xi32, #tpu.memory_space<vmem>> -> memref<128xi32, #tpu.memory_space<vmem>>
        %dma_start3A_79 = arith.constant 0 : i32
        %dma_start3A_80 = arith.constant 0 : i32
        %dma_start3A_81 = tpu.memref_slice %arg10[%dma_start3A_79, %dma_start3A_80] : memref<10240x64xf32, #tpu.memory_space<vmem_shared>> -> memref<10240x64xf32, #tpu.memory_space<vmem_shared>>
        tpu.enqueue_indirect_dma source(%arg8 : memref<128x64xf32, #tpu.memory_space<vmem>>) target(%dma_start3A_81 : memref<10240x64xf32, #tpu.memory_space<vmem_shared>>) offsets(%dma_start3A_78 : memref<128xi32, #tpu.memory_space<vmem>>) semaphore(%run_scoped3A : memref<!tpu.dma_semaphore, #tpu.memory_space<semaphore_mem>>) {add = true}
        %dma_wait3A_82 = arith.constant 0 : i32
        %dma_wait3A_83 = tpu.memref_slice %arg7[%mul3A_49, %dma_wait3A_82] : memref<80x128xi32, #tpu.memory_space<vmem>> -> memref<1x128xi32, #tpu.memory_space<vmem>>
        %dma_wait3A_84 = tpu.memref_squeeze %dma_wait3A_83 : memref<1x128xi32, #tpu.memory_space<vmem>> -> memref<128xi32, #tpu.memory_space<vmem>>
        %dma_wait3A_85 = arith.constant 0 : i32
        %dma_wait3A_86 = arith.constant 0 : i32
        %dma_wait3A_87 = tpu.memref_slice %arg10[%dma_wait3A_85, %dma_wait3A_86] : memref<10240x64xf32, #tpu.memory_space<vmem_shared>> -> memref<10240x64xf32, #tpu.memory_space<vmem_shared>>
        tpu.wait_indirect_dma semaphore(%run_scoped3A : memref<!tpu.dma_semaphore, #tpu.memory_space<semaphore_mem>>) src(%arg8 : memref<128x64xf32, #tpu.memory_space<vmem>>) dst(%dma_wait3A_87 : memref<10240x64xf32, #tpu.memory_space<vmem_shared>>)
        tpu.yield
      }) : () -> ()
      %lt3A = arith.constant 39 : i32
      %lt3A_63 = arith.cmpi slt, %scan3A_46, %lt3A : i32
      %convert_element_type3A = arith.extui %lt3A_63 : i1 to i32
      %cond3A = arith.constant 0 : i32
      %cond3A_64 = arith.cmpi ne, %convert_element_type3A, %cond3A : i32
      scf.if %cond3A_64 {
        %add3A_76 = arith.constant 2 : i32
        %add3A_77 = arith.addi %mul3A_49, %add3A_76 : i32
        %dma_start3A_78 = arith.constant 0 : i32
        %dma_start3A_79 = tpu.memref_slice %arg6[%add3A_77, %dma_start3A_78] : memref<80x128xi32, #tpu.memory_space<vmem>> -> memref<1x128xi32, #tpu.memory_space<vmem>>
        %dma_start3A_80 = tpu.memref_squeeze %dma_start3A_79 : memref<1x128xi32, #tpu.memory_space<vmem>> -> memref<128xi32, #tpu.memory_space<vmem>>
        %dma_start3A_81 = arith.constant 0 : i32
        %dma_start3A_82 = arith.constant 0 : i32
        %dma_start3A_83 = tpu.memref_slice %arg2[%dma_start3A_81, %dma_start3A_82] : memref<10000x64xf32, #tpu.memory_space<hbm>> -> memref<10000x64xf32, #tpu.memory_space<hbm>>
        tpu.enqueue_indirect_dma source(%dma_start3A_83 : memref<10000x64xf32, #tpu.memory_space<hbm>>) target(%arg8 : memref<128x64xf32, #tpu.memory_space<vmem>>) offsets(%dma_start3A_80 : memref<128xi32, #tpu.memory_space<vmem>>) semaphore(%arg11 : memref<!tpu.dma_semaphore, #tpu.memory_space<semaphore_mem>>)
      } else {
      }
      %add3A_65 = arith.constant 1 : i32
      %add3A_66 = arith.addi %mul3A_49, %add3A_65 : i32
      %dma_wait3A_67 = arith.constant 0 : i32
      %dma_wait3A_68 = tpu.memref_slice %arg6[%add3A_66, %dma_wait3A_67] : memref<80x128xi32, #tpu.memory_space<vmem>> -> memref<1x128xi32, #tpu.memory_space<vmem>>
      %dma_wait3A_69 = tpu.memref_squeeze %dma_wait3A_68 : memref<1x128xi32, #tpu.memory_space<vmem>> -> memref<128xi32, #tpu.memory_space<vmem>>
      %dma_wait3A_70 = arith.constant 0 : i32
      %dma_wait3A_71 = arith.constant 0 : i32
      %dma_wait3A_72 = tpu.memref_slice %arg2[%dma_wait3A_70, %dma_wait3A_71] : memref<10000x64xf32, #tpu.memory_space<hbm>> -> memref<10000x64xf32, #tpu.memory_space<hbm>>
      tpu.wait_indirect_dma semaphore(%arg12 : memref<!tpu.dma_semaphore, #tpu.memory_space<semaphore_mem>>) src(%dma_wait3A_72 : memref<10000x64xf32, #tpu.memory_space<hbm>>) dst(%arg9 : memref<128x64xf32, #tpu.memory_space<vmem>>)
      %add3A_73 = arith.constant 1 : i32
      %add3A_74 = arith.addi %mul3A_49, %add3A_73 : i32
      "tpu.region"() ({
        %run_scoped3A = tpu.sem_alloc : memref<!tpu.dma_semaphore, #tpu.memory_space<semaphore_mem>>
        %dma_start3A_76 = arith.constant 0 : i32
        %dma_start3A_77 = tpu.memref_slice %arg7[%add3A_74, %dma_start3A_76] : memref<80x128xi32, #tpu.memory_space<vmem>> -> memref<1x128xi32, #tpu.memory_space<vmem>>
        %dma_start3A_78 = tpu.memref_squeeze %dma_start3A_77 : memref<1x128xi32, #tpu.memory_space<vmem>> -> memref<128xi32, #tpu.memory_space<vmem>>
        %dma_start3A_79 = arith.constant 0 : i32
        %dma_start3A_80 = arith.constant 0 : i32
        %dma_start3A_81 = tpu.memref_slice %arg10[%dma_start3A_79, %dma_start3A_80] : memref<10240x64xf32, #tpu.memory_space<vmem_shared>> -> memref<10240x64xf32, #tpu.memory_space<vmem_shared>>
        tpu.enqueue_indirect_dma source(%arg9 : memref<128x64xf32, #tpu.memory_space<vmem>>) target(%dma_start3A_81 : memref<10240x64xf32, #tpu.memory_space<vmem_shared>>) offsets(%dma_start3A_78 : memref<128xi32, #tpu.memory_space<vmem>>) semaphore(%run_scoped3A : memref<!tpu.dma_semaphore, #tpu.memory_space<semaphore_mem>>) {add = true}
        %dma_wait3A_82 = arith.constant 0 : i32
        %dma_wait3A_83 = tpu.memref_slice %arg7[%add3A_74, %dma_wait3A_82] : memref<80x128xi32, #tpu.memory_space<vmem>> -> memref<1x128xi32, #tpu.memory_space<vmem>>
        %dma_wait3A_84 = tpu.memref_squeeze %dma_wait3A_83 : memref<1x128xi32, #tpu.memory_space<vmem>> -> memref<128xi32, #tpu.memory_space<vmem>>
        %dma_wait3A_85 = arith.constant 0 : i32
        %dma_wait3A_86 = arith.constant 0 : i32
        %dma_wait3A_87 = tpu.memref_slice %arg10[%dma_wait3A_85, %dma_wait3A_86] : memref<10240x64xf32, #tpu.memory_space<vmem_shared>> -> memref<10240x64xf32, #tpu.memory_space<vmem_shared>>
        tpu.wait_indirect_dma semaphore(%run_scoped3A : memref<!tpu.dma_semaphore, #tpu.memory_space<semaphore_mem>>) src(%arg9 : memref<128x64xf32, #tpu.memory_space<vmem>>) dst(%dma_wait3A_87 : memref<10240x64xf32, #tpu.memory_space<vmem_shared>>)
        tpu.yield
      }) : () -> ()
      %scan3A_75 = arith.constant 0 : i32
      scf.yield %scan3A_75 : i32
    }
    %scan3A_40 = arith.constant 40 : i32
    %barrier3A_41 = arith.constant 0 : index
    tpu.barrier barrier_id(%barrier3A_41)
    %mul3A_42 = arith.constant 640 : i32
    %mul3A_43 = arith.muli %arg1, %mul3A_42 : i32
    %mul3A_44 = arith.constant 640 : i32
    %mul3A_45 = arith.muli %arg1, %mul3A_44 : i32
    "tpu.region"() ({
      %run_scoped3A = tpu.sem_alloc : memref<!tpu.dma_semaphore, #tpu.memory_space<semaphore_mem>>
      %dma_start3A_46 = arith.constant 0 : i32
      %dma_start3A_47 = tpu.memref_slice %arg5[%arg0, %mul3A_45, %dma_start3A_46] : memref<2x10240x64xf32, #tpu.memory_space<hbm>> -> memref<1x640x64xf32, #tpu.memory_space<hbm>>
      %dma_start3A_48 = tpu.memref_squeeze %dma_start3A_47 : memref<1x640x64xf32, #tpu.memory_space<hbm>> -> memref<640x64xf32, #tpu.memory_space<hbm>>
      %dma_start3A_49 = arith.constant 0 : i32
      %dma_start3A_50 = tpu.memref_slice %arg10[%mul3A_43, %dma_start3A_49] : memref<10240x64xf32, #tpu.memory_space<vmem_shared>> -> memref<640x64xf32, #tpu.memory_space<vmem_shared>>
      tpu.enqueue_dma source(%dma_start3A_50 : memref<640x64xf32, #tpu.memory_space<vmem_shared>>) target(%dma_start3A_48 : memref<640x64xf32, #tpu.memory_space<hbm>>) target_semaphore(%run_scoped3A : memref<!tpu.dma_semaphore, #tpu.memory_space<semaphore_mem>>)
      %dma_wait3A = arith.constant 0 : i32
      %dma_wait3A_51 = tpu.memref_slice %arg5[%arg0, %mul3A_45, %dma_wait3A] : memref<2x10240x64xf32, #tpu.memory_space<hbm>> -> memref<1x640x64xf32, #tpu.memory_space<hbm>>
      %dma_wait3A_52 = tpu.memref_squeeze %dma_wait3A_51 : memref<1x640x64xf32, #tpu.memory_space<hbm>> -> memref<640x64xf32, #tpu.memory_space<hbm>>
      %dma_wait3A_53 = arith.constant 0 : i32
      %dma_wait3A_54 = tpu.memref_slice %arg10[%mul3A_43, %dma_wait3A_53] : memref<10240x64xf32, #tpu.memory_space<vmem_shared>> -> memref<640x64xf32, #tpu.memory_space<vmem_shared>>
      tpu.wait_dma2 semaphore(%run_scoped3A : memref<!tpu.dma_semaphore, #tpu.memory_space<semaphore_mem>>) src(%dma_wait3A_54 : memref<640x64xf32, #tpu.memory_space<vmem_shared>>) dst(%dma_wait3A_52 : memref<640x64xf32, #tpu.memory_space<hbm>>)
      tpu.yield
    }) : () -> ()
    return
  }
}

module attributes {stable_mosaic.version = 14 : i64} {
  func.func @_tc_pre_body(%arg0: i32, %arg1: memref<10240x128xf32, #tpu.memory_space<vmem>>, %arg2: memref<10240x2xf32, #tpu.memory_space<vmem>>, %arg3: memref<128x64xf32, #tpu.memory_space<vmem>>, %arg4: memref<128x64xf32, #tpu.memory_space<vmem>>, %arg5: memref<10240x1xf32, #tpu.memory_space<vmem>>, %arg6: memref<10240x64xf32, #tpu.memory_space<vmem>>, %arg7: memref<10240x64xf32, #tpu.memory_space<vmem>>) attributes {dimension_semantics = [#tpu.dimension_semantics<arbitrary>], iteration_bounds = array<i64: 1>, scalar_prefetch = 0 : i64, scratch_operands = 0 : i64, tpu.core_type = #tpu.core_type<tc>, window_params = [{transform_indices = @transform_0, window_bounds = array<i64: 10240, 128>}, {transform_indices = @transform_1, window_bounds = array<i64: 10240, 2>}, {pipeline_mode = #tpu.pipeline_mode<synchronous>, transform_indices = @transform_2, window_bounds = array<i64: 128, 64>}, {pipeline_mode = #tpu.pipeline_mode<synchronous>, transform_indices = @transform_3, window_bounds = array<i64: 128, 64>}, {transform_indices = @transform_4, window_bounds = array<i64: 10240, 1>}, {transform_indices = @transform_5, window_bounds = array<i64: 10240, 64>}, {transform_indices = @transform_6, window_bounds = array<i64: 10240, 64>}]} {
    %get3A = arith.constant 0 : index
    %get3A_0 = arith.constant 0 : index
    %get3A_1 = vector.load %arg2[%get3A, %get3A_0] : memref<10240x2xf32, #tpu.memory_space<vmem>>, vector<10240x1xf32>
    %get3A_2 = arith.constant 0 : index
    %get3A_3 = arith.constant 1 : index
    %get3A_4 = vector.load %arg2[%get3A_2, %get3A_3] : memref<10240x2xf32, #tpu.memory_space<vmem>>, vector<10240x1xf32>
    %add3A = arith.addf %get3A_1, %get3A_4 : vector<10240x1xf32>
    %mul3A = arith.constant 10240 : i32
    %mul3A_5 = arith.muli %arg0, %mul3A : i32
    %iota3A = tpu.iota {dimensions = array<i32: 0>} : vector<10240x1xi32>
    %add3A_6 = vector.broadcast %mul3A_5 : i32 to vector<10240x1xi32>
    %add3A_7 = arith.addi %add3A_6, %iota3A : vector<10240x1xi32>
    %gt3A = arith.constant 0.000000e+00 : f32
    %gt3A_8 = vector.broadcast %gt3A : f32 to vector<10240x1xf32>
    %gt3A_9 = arith.cmpf ogt, %add3A, %gt3A_8 : vector<10240x1xf32>
    %lt3A = arith.constant 10000 : i32
    %lt3A_10 = vector.broadcast %lt3A : i32 to vector<10240x1xi32>
    %lt3A_11 = arith.cmpi slt, %add3A_7, %lt3A_10 : vector<10240x1xi32>
    %and3A = arith.andi %gt3A_9, %lt3A_11 : vector<10240x1xi1>
    %max3A = arith.constant 1.000000e-30 : f32
    %max3A_12 = vector.broadcast %max3A : f32 to vector<10240x1xf32>
    %max3A_13 = arith.maximumf %add3A, %max3A_12 : vector<10240x1xf32>
    %rsqrt3A = math.rsqrt %max3A_13 : vector<10240x1xf32>
    %jit3A = arith.constant 0.000000e+00 : f32
    %broadcast_in_dim3A = vector.broadcast %jit3A : f32 to vector<10240x1xf32>
    %select_n3A = arith.select %and3A, %rsqrt3A, %broadcast_in_dim3A : vector<10240x1xi1>, vector<10240x1xf32>
    %swap3A = arith.constant 0 : index
    %swap3A_14 = arith.constant 0 : index
    %swap3A_15 = vector.load %arg5[%swap3A, %swap3A_14] : memref<10240x1xf32, #tpu.memory_space<vmem>>, vector<10240x1xf32>
    tpu.vector_store %arg5[%swap3A, %swap3A_14], %select_n3A {strides = array<i32>} : memref<10240x1xf32, #tpu.memory_space<vmem>>, vector<10240x1xf32>,
    %get3A_16 = arith.constant 0 : index
    %get3A_17 = arith.constant 0 : index
    %get3A_18 = vector.load %arg1[%get3A_16, %get3A_17] : memref<10240x128xf32, #tpu.memory_space<vmem>>, vector<10240x128xf32>
    %get3A_19 = arith.constant 0 : index
    %get3A_20 = arith.constant 0 : index
    %get3A_21 = vector.load %arg3[%get3A_19, %get3A_20] : memref<128x64xf32, #tpu.memory_space<vmem>>, vector<128x64xf32>
    %dot_general3A = arith.constant dense<0.000000e+00> : vector<10240x64xf32>
    %dot_general3A_22 = tpu.matmul %get3A_18, %get3A_21, %dot_general3A {dimension_numbers = #tpu.dot_dimension_numbers<[1], [0], [0], [1], [0, 0, 1, 1], [], []>, transpose_lhs_hint = false} : vector<10240x128xf32>, vector<128x64xf32>, vector<10240x64xf32> -> vector<10240x64xf32>
    %swap3A_23 = arith.constant 0 : index
    %swap3A_24 = arith.constant 0 : index
    %swap3A_25 = vector.load %arg6[%swap3A_23, %swap3A_24] : memref<10240x64xf32, #tpu.memory_space<vmem>>, vector<10240x64xf32>
    tpu.vector_store %arg6[%swap3A_23, %swap3A_24], %dot_general3A_22 {strides = array<i32>} : memref<10240x64xf32, #tpu.memory_space<vmem>>, vector<10240x64xf32>,
    %get3A_26 = arith.constant 0 : index
    %get3A_27 = arith.constant 0 : index
    %get3A_28 = vector.load %arg4[%get3A_26, %get3A_27] : memref<128x64xf32, #tpu.memory_space<vmem>>, vector<128x64xf32>
    %dot_general3A_29 = arith.constant dense<0.000000e+00> : vector<10240x64xf32>
    %dot_general3A_30 = tpu.matmul %get3A_18, %get3A_28, %dot_general3A_29 {dimension_numbers = #tpu.dot_dimension_numbers<[1], [0], [0], [1], [0, 0, 1, 1], [], []>, transpose_lhs_hint = false} : vector<10240x128xf32>, vector<128x64xf32>, vector<10240x64xf32> -> vector<10240x64xf32>
    %mul3A_31 = vector.broadcast %select_n3A : vector<10240x1xf32> to vector<10240x64xf32>
    %mul3A_32 = arith.mulf %dot_general3A_30, %mul3A_31 : vector<10240x64xf32>
    %swap3A_33 = arith.constant 0 : index
    %swap3A_34 = arith.constant 0 : index
    %swap3A_35 = vector.load %arg7[%swap3A_33, %swap3A_34] : memref<10240x64xf32, #tpu.memory_space<vmem>>, vector<10240x64xf32>
    tpu.vector_store %arg7[%swap3A_33, %swap3A_34], %mul3A_32 {strides = array<i32>} : memref<10240x64xf32, #tpu.memory_space<vmem>>, vector<10240x64xf32>,
    return
  }
  func.func @transform_0(%arg0: i32) -> (i32, i32) {
    %c0_i32 = arith.constant 0 : i32
    %c0_i32_0 = arith.constant 0 : i32
    return %arg0, %c0_i32 : i32, i32
  }
  func.func @transform_1(%arg0: i32) -> (i32, i32) {
    %c0_i32 = arith.constant 0 : i32
    %c0_i32_0 = arith.constant 0 : i32
    return %arg0, %c0_i32 : i32, i32
  }
  func.func @transform_2(%arg0: i32) -> (i32, i32) {
    %c0_i32 = arith.constant 0 : i32
    %c0_i32_0 = arith.constant 0 : i32
    %c0_i32_1 = arith.constant 0 : i32
    return %c0_i32, %c0_i32_0 : i32, i32
  }
  func.func @transform_3(%arg0: i32) -> (i32, i32) {
    %c0_i32 = arith.constant 0 : i32
    %c0_i32_0 = arith.constant 0 : i32
    %c0_i32_1 = arith.constant 0 : i32
    return %c0_i32, %c0_i32_0 : i32, i32
  }
  func.func @transform_4(%arg0: i32) -> (i32, i32) {
    %c0_i32 = arith.constant 0 : i32
    %c0_i32_0 = arith.constant 0 : i32
    return %arg0, %c0_i32 : i32, i32
  }
  func.func @transform_5(%arg0: i32) -> (i32, i32) {
    %c0_i32 = arith.constant 0 : i32
    %c0_i32_0 = arith.constant 0 : i32
    return %arg0, %c0_i32 : i32, i32
  }
  func.func @transform_6(%arg0: i32) -> (i32, i32) {
    %c0_i32 = arith.constant 0 : i32
    %c0_i32_0 = arith.constant 0 : i32
    return %arg0, %c0_i32 : i32, i32
  }
}

module attributes {stable_mosaic.version = 14 : i64} {
  func.func @_tc_mid_body(%arg0: i32, %arg1: memref<10240x64xf32, #tpu.memory_space<vmem>>, %arg2: memref<10240x64xf32, #tpu.memory_space<vmem>>, %arg3: memref<10240x64xf32, #tpu.memory_space<vmem>>, %arg4: memref<10240x1xf32, #tpu.memory_space<vmem>>, %arg5: memref<1x64xf32, #tpu.memory_space<vmem>>, %arg6: memref<64x128xf32, #tpu.memory_space<vmem>>, %arg7: memref<10240x64xf32, #tpu.memory_space<vmem>>, %arg8: memref<10240x128xf32, #tpu.memory_space<vmem>>) attributes {dimension_semantics = [#tpu.dimension_semantics<arbitrary>], iteration_bounds = array<i64: 1>, scalar_prefetch = 0 : i64, scratch_operands = 0 : i64, tpu.core_type = #tpu.core_type<tc>, window_params = [{transform_indices = @transform_0, window_bounds = array<i64: 10240, 64>}, {transform_indices = @transform_1, window_bounds = array<i64: 10240, 64>}, {transform_indices = @transform_2, window_bounds = array<i64: 10240, 64>}, {transform_indices = @transform_3, window_bounds = array<i64: 10240, 1>}, {pipeline_mode = #tpu.pipeline_mode<synchronous>, transform_indices = @transform_4, window_bounds = array<i64: 1, 64>}, {pipeline_mode = #tpu.pipeline_mode<synchronous>, transform_indices = @transform_5, window_bounds = array<i64: 64, 128>}, {transform_indices = @transform_6, window_bounds = array<i64: 10240, 64>}, {transform_indices = @transform_7, window_bounds = array<i64: 10240, 128>}]} {
    %get3A = arith.constant 0 : index
    %get3A_0 = arith.constant 0 : index
    %get3A_1 = vector.load %arg4[%get3A, %get3A_0] : memref<10240x1xf32, #tpu.memory_space<vmem>>, vector<10240x1xf32>
    %get3A_2 = arith.constant 0 : index
    %get3A_3 = arith.constant 0 : index
    %get3A_4 = vector.load %arg1[%get3A_2, %get3A_3] : memref<10240x64xf32, #tpu.memory_space<vmem>>, vector<10240x64xf32>
    %get3A_5 = arith.constant 0 : index
    %get3A_6 = arith.constant 0 : index
    %get3A_7 = vector.load %arg2[%get3A_5, %get3A_6] : memref<10240x64xf32, #tpu.memory_space<vmem>>, vector<10240x64xf32>
    %get3A_8 = arith.constant 0 : index
    %get3A_9 = arith.constant 0 : index
    %get3A_10 = vector.load %arg3[%get3A_8, %get3A_9] : memref<10240x64xf32, #tpu.memory_space<vmem>>, vector<10240x64xf32>
    %add3A = arith.addf %get3A_7, %get3A_10 : vector<10240x64xf32>
    %mul3A = vector.broadcast %get3A_1 : vector<10240x1xf32> to vector<10240x64xf32>
    %mul3A_11 = arith.mulf %mul3A, %add3A : vector<10240x64xf32>
    %sub3A = arith.subf %get3A_4, %mul3A_11 : vector<10240x64xf32>
    %get3A_12 = arith.constant 0 : index
    %get3A_13 = arith.constant 0 : index
    %get3A_14 = vector.load %arg5[%get3A_12, %get3A_13] : memref<1x64xf32, #tpu.memory_space<vmem>>, vector<1x64xf32>
    %add3A_15 = vector.broadcast %get3A_14 : vector<1x64xf32> to vector<10240x64xf32>
    %add3A_16 = arith.addf %sub3A, %add3A_15 : vector<10240x64xf32>
    %max3A = arith.constant 0.000000e+00 : f32
    %max3A_17 = vector.broadcast %max3A : f32 to vector<10240x64xf32>
    %max3A_18 = arith.maximumf %add3A_16, %max3A_17 : vector<10240x64xf32>
    %mul3A_19 = vector.broadcast %get3A_1 : vector<10240x1xf32> to vector<10240x64xf32>
    %mul3A_20 = arith.mulf %mul3A_19, %max3A_18 : vector<10240x64xf32>
    %swap3A = arith.constant 0 : index
    %swap3A_21 = arith.constant 0 : index
    %swap3A_22 = vector.load %arg7[%swap3A, %swap3A_21] : memref<10240x64xf32, #tpu.memory_space<vmem>>, vector<10240x64xf32>
    tpu.vector_store %arg7[%swap3A, %swap3A_21], %mul3A_20 {strides = array<i32>} : memref<10240x64xf32, #tpu.memory_space<vmem>>, vector<10240x64xf32>,
    %get3A_23 = arith.constant 0 : index
    %get3A_24 = arith.constant 0 : index
    %get3A_25 = vector.load %arg6[%get3A_23, %get3A_24] : memref<64x128xf32, #tpu.memory_space<vmem>>, vector<64x128xf32>
    %dot_general3A = arith.constant dense<0.000000e+00> : vector<10240x128xf32>
    %dot_general3A_26 = tpu.matmul %max3A_18, %get3A_25, %dot_general3A {dimension_numbers = #tpu.dot_dimension_numbers<[1], [0], [0], [1], [0, 0, 1, 1], [], []>, transpose_lhs_hint = false} : vector<10240x64xf32>, vector<64x128xf32>, vector<10240x128xf32> -> vector<10240x128xf32>
    %swap3A_27 = arith.constant 0 : index
    %swap3A_28 = arith.constant 0 : index
    %swap3A_29 = vector.load %arg8[%swap3A_27, %swap3A_28] : memref<10240x128xf32, #tpu.memory_space<vmem>>, vector<10240x128xf32>
    tpu.vector_store %arg8[%swap3A_27, %swap3A_28], %dot_general3A_26 {strides = array<i32>} : memref<10240x128xf32, #tpu.memory_space<vmem>>, vector<10240x128xf32>,
    return
  }
  func.func @transform_0(%arg0: i32) -> (i32, i32) {
    %c0_i32 = arith.constant 0 : i32
    %c0_i32_0 = arith.constant 0 : i32
    return %arg0, %c0_i32 : i32, i32
  }
  func.func @transform_1(%arg0: i32) -> (i32, i32) {
    %c0_i32 = arith.constant 0 : i32
    %c0_i32_0 = arith.constant 0 : i32
    return %arg0, %c0_i32 : i32, i32
  }
  func.func @transform_2(%arg0: i32) -> (i32, i32) {
    %c0_i32 = arith.constant 0 : i32
    %c0_i32_0 = arith.constant 0 : i32
    return %arg0, %c0_i32 : i32, i32
  }
  func.func @transform_3(%arg0: i32) -> (i32, i32) {
    %c0_i32 = arith.constant 0 : i32
    %c0_i32_0 = arith.constant 0 : i32
    return %arg0, %c0_i32 : i32, i32
  }
  func.func @transform_4(%arg0: i32) -> (i32, i32) {
    %c0_i32 = arith.constant 0 : i32
    %c0_i32_0 = arith.constant 0 : i32
    %c0_i32_1 = arith.constant 0 : i32
    return %c0_i32, %c0_i32_0 : i32, i32
  }
  func.func @transform_5(%arg0: i32) -> (i32, i32) {
    %c0_i32 = arith.constant 0 : i32
    %c0_i32_0 = arith.constant 0 : i32
    %c0_i32_1 = arith.constant 0 : i32
    return %c0_i32, %c0_i32_0 : i32, i32
  }
  func.func @transform_6(%arg0: i32) -> (i32, i32) {
    %c0_i32 = arith.constant 0 : i32
    %c0_i32_0 = arith.constant 0 : i32
    return %arg0, %c0_i32 : i32, i32
  }
  func.func @transform_7(%arg0: i32) -> (i32, i32) {
    %c0_i32 = arith.constant 0 : i32
    %c0_i32_0 = arith.constant 0 : i32
    return %arg0, %c0_i32 : i32, i32
  }
}

module attributes {stable_mosaic.version = 14 : i64} {
  func.func @_tc_fin_body(%arg0: i32, %arg1: memref<10240x128xf32, #tpu.memory_space<vmem>>, %arg2: memref<10240x64xf32, #tpu.memory_space<vmem>>, %arg3: memref<10240x64xf32, #tpu.memory_space<vmem>>, %arg4: memref<10240x1xf32, #tpu.memory_space<vmem>>, %arg5: memref<64x128xf32, #tpu.memory_space<vmem>>, %arg6: memref<1x128xf32, #tpu.memory_space<vmem>>, %arg7: memref<10240x128xf32, #tpu.memory_space<vmem>>) attributes {dimension_semantics = [#tpu.dimension_semantics<arbitrary>], iteration_bounds = array<i64: 1>, scalar_prefetch = 0 : i64, scratch_operands = 0 : i64, tpu.core_type = #tpu.core_type<tc>, window_params = [{transform_indices = @transform_0, window_bounds = array<i64: 10240, 128>}, {transform_indices = @transform_1, window_bounds = array<i64: 10240, 64>}, {transform_indices = @transform_2, window_bounds = array<i64: 10240, 64>}, {transform_indices = @transform_3, window_bounds = array<i64: 10240, 1>}, {pipeline_mode = #tpu.pipeline_mode<synchronous>, transform_indices = @transform_4, window_bounds = array<i64: 64, 128>}, {pipeline_mode = #tpu.pipeline_mode<synchronous>, transform_indices = @transform_5, window_bounds = array<i64: 1, 128>}, {transform_indices = @transform_6, window_bounds = array<i64: 10240, 128>}]} {
    %get3A = arith.constant 0 : index
    %get3A_0 = arith.constant 0 : index
    %get3A_1 = vector.load %arg4[%get3A, %get3A_0] : memref<10240x1xf32, #tpu.memory_space<vmem>>, vector<10240x1xf32>
    %get3A_2 = arith.constant 0 : index
    %get3A_3 = arith.constant 0 : index
    %get3A_4 = vector.load %arg2[%get3A_2, %get3A_3] : memref<10240x64xf32, #tpu.memory_space<vmem>>, vector<10240x64xf32>
    %get3A_5 = arith.constant 0 : index
    %get3A_6 = arith.constant 0 : index
    %get3A_7 = vector.load %arg3[%get3A_5, %get3A_6] : memref<10240x64xf32, #tpu.memory_space<vmem>>, vector<10240x64xf32>
    %add3A = arith.addf %get3A_4, %get3A_7 : vector<10240x64xf32>
    %mul3A = vector.broadcast %get3A_1 : vector<10240x1xf32> to vector<10240x64xf32>
    %mul3A_8 = arith.mulf %mul3A, %add3A : vector<10240x64xf32>
    %get3A_9 = arith.constant 0 : index
    %get3A_10 = arith.constant 0 : index
    %get3A_11 = vector.load %arg1[%get3A_9, %get3A_10] : memref<10240x128xf32, #tpu.memory_space<vmem>>, vector<10240x128xf32>
    %get3A_12 = arith.constant 0 : index
    %get3A_13 = arith.constant 0 : index
    %get3A_14 = vector.load %arg5[%get3A_12, %get3A_13] : memref<64x128xf32, #tpu.memory_space<vmem>>, vector<64x128xf32>
    %dot_general3A = arith.constant dense<0.000000e+00> : vector<10240x128xf32>
    %dot_general3A_15 = tpu.matmul %mul3A_8, %get3A_14, %dot_general3A {dimension_numbers = #tpu.dot_dimension_numbers<[1], [0], [0], [1], [0, 0, 1, 1], [], []>, transpose_lhs_hint = false} : vector<10240x64xf32>, vector<64x128xf32>, vector<10240x128xf32> -> vector<10240x128xf32>
    %sub3A = arith.subf %get3A_11, %dot_general3A_15 : vector<10240x128xf32>
    %get3A_16 = arith.constant 0 : index
    %get3A_17 = arith.constant 0 : index
    %get3A_18 = vector.load %arg6[%get3A_16, %get3A_17] : memref<1x128xf32, #tpu.memory_space<vmem>>, vector<1x128xf32>
    %add3A_19 = vector.broadcast %get3A_18 : vector<1x128xf32> to vector<10240x128xf32>
    %add3A_20 = arith.addf %sub3A, %add3A_19 : vector<10240x128xf32>
    %reduce_max3A = arith.constant dense<0xFF800000> : vector<10240xf32>
    %reduce_max3A_21 = vector.multi_reduction <maximumf>, %add3A_20, %reduce_max3A [1] : vector<10240x128xf32> to vector<10240xf32>
    %broadcast_in_dim3A = vector.shape_cast %reduce_max3A_21 : vector<10240xf32> to vector<10240x1xf32>
    %sub3A_22 = vector.broadcast %broadcast_in_dim3A : vector<10240x1xf32> to vector<10240x128xf32>
    %sub3A_23 = arith.subf %add3A_20, %sub3A_22 : vector<10240x128xf32>
    %exp3A = math.exp %sub3A_23 : vector<10240x128xf32>
    %reduce_sum3A = arith.constant dense<0.000000e+00> : vector<10240xf32>
    %reduce_sum3A_24 = vector.multi_reduction <add>, %exp3A, %reduce_sum3A [1] : vector<10240x128xf32> to vector<10240xf32>
    %broadcast_in_dim3A_25 = vector.shape_cast %reduce_sum3A_24 : vector<10240xf32> to vector<10240x1xf32>
    %log3A = math.log %broadcast_in_dim3A_25 : vector<10240x1xf32>
    %sub3A_26 = vector.broadcast %log3A : vector<10240x1xf32> to vector<10240x128xf32>
    %sub3A_27 = arith.subf %sub3A_23, %sub3A_26 : vector<10240x128xf32>
    %swap3A = arith.constant 0 : index
    %swap3A_28 = arith.constant 0 : index
    %swap3A_29 = vector.load %arg7[%swap3A, %swap3A_28] : memref<10240x128xf32, #tpu.memory_space<vmem>>, vector<10240x128xf32>
    tpu.vector_store %arg7[%swap3A, %swap3A_28], %sub3A_27 {strides = array<i32>} : memref<10240x128xf32, #tpu.memory_space<vmem>>, vector<10240x128xf32>,
    return
  }
  func.func @transform_0(%arg0: i32) -> (i32, i32) {
    %c0_i32 = arith.constant 0 : i32
    %c0_i32_0 = arith.constant 0 : i32
    return %arg0, %c0_i32 : i32, i32
  }
  func.func @transform_1(%arg0: i32) -> (i32, i32) {
    %c0_i32 = arith.constant 0 : i32
    %c0_i32_0 = arith.constant 0 : i32
    return %arg0, %c0_i32 : i32, i32
  }
  func.func @transform_2(%arg0: i32) -> (i32, i32) {
    %c0_i32 = arith.constant 0 : i32
    %c0_i32_0 = arith.constant 0 : i32
    return %arg0, %c0_i32 : i32, i32
  }
  func.func @transform_3(%arg0: i32) -> (i32, i32) {
    %c0_i32 = arith.constant 0 : i32
    %c0_i32_0 = arith.constant 0 : i32
    return %arg0, %c0_i32 : i32, i32
  }
  func.func @transform_4(%arg0: i32) -> (i32, i32) {
    %c0_i32 = arith.constant 0 : i32
    %c0_i32_0 = arith.constant 0 : i32
    %c0_i32_1 = arith.constant 0 : i32
    return %c0_i32, %c0_i32_0 : i32, i32
  }
  func.func @transform_5(%arg0: i32) -> (i32, i32) {
    %c0_i32 = arith.constant 0 : i32
    %c0_i32_0 = arith.constant 0 : i32
    %c0_i32_1 = arith.constant 0 : i32
    return %c0_i32, %c0_i32_0 : i32, i32
  }
  func.func @transform_6(%arg0: i32) -> (i32, i32) {
    %c0_i32 = arith.constant 0 : i32
    %c0_i32_0 = arith.constant 0 : i32
    return %arg0, %c0_i32 : i32, i32
  }
}

</mosaic_0001>

<sc_bundles>
// kernel: kernel.11.cloned.1.call-start
scs
__scs_entry_jumppad:
0x0: {  	(pc) =	sbr.rel $0x88, $3  }
0x1: {  	(tag) =	ssettag $0x0;
	lr =	simm.s32 $0x1  }
0x2: {  	[smem:$0x3F99] =	sst lr;
	_ =	strace $0xD0000000  }
0x3: {  	_ = 	snop  }
0x4: {  	_ = 	snop  }
0x5: {  	_ = 	snop  }
0x6: {  	_ = 	snop  }
0x7: {  	_ = 	snop  }
__scs_overlays_trampoline_lowered:
0x8: {  	[smem:$0x3FA8] =	sst s0  }
0x9: {  	[smem:$0x3FA9] =	sst s1  }
0xa: {  	[smem:$0x3FAA] =	sst s2  }
0xb: {  	[smem:$0x3FAB] =	sst s3  }
0xc: {  	[smem:$0x3FAC] =	sst s4  }
0xd: {  	[smem:$0x3FAD] =	sst s5  }
0xe: {  	[smem:$0x3FAE] =	sst s6  }
0xf: {  	[smem:$0x3FAF] =	sst s7  }
0x10: {  	[smem:$0x3FB0] =	sst s8  }
0x11: {  	[smem:$0x3FB1] =	sst s9;
	s0 =	simm.s32 @!p0 $0x0  }
0x12: {  	s1 =	sld [smem:$0x3F97];
	s0 =	simm.s32 @p0 $0x1  }
0x13: {  	[smem:$0x3FB2] =	sst s0;
	s0 =	simm.s32 @!p1 $0x0  }
0x14: {  	s2 =	sld [smem:$0x3F96];
	s0 =	simm.s32 @p1 $0x1  }
0x15: {  	[smem:$0x3FB3] =	sst s0;
	s0 =	simm.s32 @!p2 $0x0  }
0x16: {  	s3 =	sld [smem:$0x3FDB];
	s0 =	simm.s32 @p2 $0x1  }
0x17: {  	s4 =	simm.s32 $0x1BF5;
	[smem:$0x3FB5] =	sst s0  }
0x18: {  	s0 =	sld [smem:$0x3F98];
	_ =	swait.ge [sflag:s4], $0x0  }
0x19: {  	s7 =	sld [smem:$0x3F99]  }
0x1a: {  	s8 =	sadd.s32 $0xFFFFE003, lr  }
0x1b: {  	s9 =	sadd.s32 $0xFFFFFEF7, lr;
	s5 =	simm.s32 $0xFFFFFFFF;
	p2 =	slt.u32 s8, $0xFFFFF086  }
0x1c: {  	p1 =	slt.u32 s9, $0xF7A;
	s5 =	simm.s32 @!p2 $0x0  }
0x1d: {  	s5 =	simm.s32 @p1 $0x1;
	p0 =	seq.s32 s7, s2  }
0x1e: {  	s7 =	smul.u32 @!p0 $0xF7A, s2;
	p2 =	seq.s32 @!p0 s5, $0x0  }
0x1f: {  	s9 =	smul.u32 $0xF7A, s1;
	s8 =	simm.s32 @!p0 $0x1BF5;
	p2 =	por !p2, p0  }
0x20: {  	[sflag:s8] =	ssyncset.s32 @!p0 $0xFFFFF086;
	s6 =	sadd.s32 @!p0 s3, s7;
	s7 =	simm.s32 @!p0 $0x108  }
0x21: {  	s3 =	sadd.s32 s3, s9;
	s6 =	sadd.s32 @!p0 $0x88, s6;
	s7 =	simm.s32 @p2 $0x1082  }
0x22: {  	[simem:s7], [sflag:s8] =	dma.local @!p0 [hbm:s6], $0xF7A  }
0x23: {  	s9 =	sor.u32 $0xD0000000, s2;
	s6 =	simm.s32 $0x108;
	_ =	swait.ge @!p0 [sflag:s8], $0x0  }
0x24: {  	s3 =	sadd.s32 $0x88, s3;
	s6 =	simm.s32 @!p1 $0x1082;
	[sflag:s4] =	ssyncset.s32 $0xFFFFF086  }
0x25: {  	[simem:s6], [sflag:s4] =	dma.local [hbm:s3], $0xF7A  }
0x26: {  	[smem:$0x3F99] =	sst s1;
	(tag) =	ssettag s2;
	_ =	strace s9  }
0x27: {  	s1 =	sld [smem:$0x3FA9]  }
0x28: {  	s2 =	sld [smem:$0x3FAA]  }
0x29: {  	s4 =	sld [smem:$0x3FAC]  }
0x2a: {  	p0 =	seq.s32 s5, $0x0;
	s5 =	sld [smem:$0x3FAD]  }
0x2b: {  	s6 =	sld [smem:$0x3FAE]  }
0x2c: {  	s7 =	sld [smem:$0x3FAF]  }
0x2d: {  	s3 =	simm.s32 $0x108;
	s8 =	sld [smem:$0x3FB0]  }
0x2e: {  	s3 =	simm.s32 @!p0 $0x1082;
	s9 =	sld [smem:$0x3FB1]  }
0x2f: {  	lr =	sadd.s32 s0, s3;
	s0 =	sld [smem:$0x3FA8]  }
0x30: {  	s3 =	sld [smem:$0x3FAB]  }
0x31: {  	[smem:$0x3FB4] =	sst s10  }
0x32: {  	s10 =	sld [smem:$0x3FB2];
	_ =	sdelay $0x3  }
0x33: {  	p0 =	seq.s32 s10, $0x1;
	s10 =	sld [smem:$0x3FB4];
	_ =	sdelay $0x3  }
0x34: {  	[smem:$0x3FB4] =	sst s10  }
0x35: {  	s10 =	sld [smem:$0x3FB3];
	_ =	sdelay $0x3  }
0x36: {  	p1 =	seq.s32 s10, $0x1;
	s10 =	sld [smem:$0x3FB4];
	_ =	sdelay $0x3  }
0x37: {  	[smem:$0x3FB4] =	sst s10  }
0x38: {  	s10 =	sld [smem:$0x3FB5]  }
0x39: {  	_ = 	snop;
	(pc) =	sbr.ind lr, $3  }
0x3a: {  	_ = 	snop  }
0x3b: {  	_ = 	snop  }
0x3c: {  	p2 =	seq.s32 s10, $0x1;
	s10 =	sld [smem:$0x3FB4]  }
0x3d: {  	_ =	shalt  }
0x3e: {  	_ =	shalt  }
0x3f: {  	_ =	shalt  }
0x40: {  	_ =	shalt  }
0x41: {  	_ =	shalt  }
0x42: {  	_ =	shalt  }
0x43: {  	_ =	shalt  }
0x44: {  	_ =	shalt  }
0x45: {  	_ =	shalt  }
0x46: {  	_ =	shalt  }
0x47: {  	_ =	shalt  }
0x48: {  	_ =	shalt  }
0x49: {  	_ =	shalt  }
0x4a: {  	_ =	shalt  }
0x4b: {  	_ =	shalt  }
0x4c: {  	_ =	shalt  }
0x4d: {  	_ =	shalt  }
0x4e: {  	_ =	shalt  }
0x4f: {  	_ =	shalt  }
0x50: {  	_ =	shalt  }
0x51: {  	_ =	shalt  }
0x52: {  	_ =	shalt  }
0x53: {  	_ =	shalt  }
0x54: {  	_ =	shalt  }
0x55: {  	_ =	shalt  }
0x56: {  	_ =	shalt  }
0x57: {  	_ =	shalt  }
0x58: {  	_ =	shalt  }
0x59: {  	_ =	shalt  }
0x5a: {  	_ =	shalt  }
0x5b: {  	_ =	shalt  }
0x5c: {  	_ =	shalt  }
0x5d: {  	_ =	shalt  }
0x5e: {  	_ =	shalt  }
0x5f: {  	_ =	shalt  }
0x60: {  	_ =	shalt  }
0x61: {  	_ =	shalt  }
0x62: {  	_ =	shalt  }
0x63: {  	_ =	shalt  }
0x64: {  	_ =	shalt  }
0x65: {  	_ =	shalt  }
0x66: {  	_ =	shalt  }
0x67: {  	_ =	shalt  }
0x68: {  	_ =	shalt  }
0x69: {  	_ =	shalt  }
0x6a: {  	_ =	shalt  }
0x6b: {  	_ =	shalt  }
0x6c: {  	_ =	shalt  }
0x6d: {  	_ =	shalt  }
0x6e: {  	_ =	shalt  }
0x6f: {  	_ =	shalt  }
0x70: {  	_ =	shalt  }
0x71: {  	_ =	shalt  }
0x72: {  	_ =	shalt  }
0x73: {  	_ =	shalt  }
0x74: {  	_ =	shalt  }
0x75: {  	_ =	shalt  }
0x76: {  	_ =	shalt  }
0x77: {  	_ =	shalt  }
0x78: {  	_ =	shalt  }
0x79: {  	_ =	shalt  }
0x7a: {  	_ =	shalt  }
0x7b: {  	_ =	shalt  }
0x7c: {  	_ =	shalt  }
0x7d: {  	_ =	shalt  }
0x7e: {  	_ =	shalt  }
0x7f: {  	_ =	shalt  }
0x80: {  	_ =	shalt  }
0x81: {  	_ =	shalt  }
0x82: {  	_ =	shalt  }
0x83: {  	_ =	shalt  }
0x84: {  	_ =	shalt  }
0x85: {  	_ =	shalt  }
0x86: {  	_ =	shalt  }
0x87: {  	_ =	shalt  }
.Lfunc_end0:
.L_simem_size_0:
called_computation.1_lowered:
.L_overlay_start_0:
0x88: {  	s2 =	sld [smem:$0x3FD9]  }
0x89: {  	s3 =	sld [smem:$0x3FFE];
	_ =	sdelay $0x1  }
0x8a: {  	s1 =	srdreg.scid  }
0x8b: {  	s0 =	sand.u32 $0x1, s1  }
0x8c: {  	s17 =	sshll.u32 s0, $0xA;
	s2 =	sadd.s32 s3, s2  }
0x8d: {  	s2 =	sadd.s32 s2, s17  }
0x8e: {  	[smem:$0x3FC0] =	sst s2  }
0x8f: {  	_ = 	snop  }
0x90: {  	s2 =	sld [smem:$0x3FD0];
	(tm) =	ssettm $0x1  }
0x91: {  	s18 =	sld [smem:$0x3FFB];
	_ =	sdelay $0x3  }
0x92: {  	_ =	strace s18  }
0x93: {  	s3 =	sld [smem:$0x3FFC];
	_ =	sdelay $0x3  }
0x94: {  	_ =	strace s3  }
0x95: {  	s3 =	sld [smem:$0x3FFD];
	_ =	sdelay $0x3  }
0x96: {  	_ =	strace s3  }
0x97: {  	_ =	strace $0x8FFFFFFF  }
0x98: {  	s19 =	sld [smem:$0x3FDB];
	_ =	sdelay $0x1  }
0x99: {  	s4 =	simm.s32 $_scs_section_size  }
0x9a: {  	s5 =	simm.s32 $_size__tile_overlayer_lowered;
	s6 =	simm.s32 $_tile_overlayer_lowered  }
0x9b: {  	s22 =	simm.s32 $0x1BFF;
	s21 =	sshll.u32 s6, $0x1;
	s3 =	sadd.s32 s4, s19  }
0x9c: {  	s7 =	simm.s32 $0x0;
	s20 =	sshll.u32 s5, $0x1;
	s5 =	sadd.s32 s21, s3  }
0x9d: {  	[timem:s7], [sflag:s22] =	dma.local [hbm:s5], s20  }
0x9e: {  	_ =	swait.ge [sflag:s22], s20  }
0x9f: {  	s4 =	ssub.s32 $0x0, s20;
	[sflag:s22] =	ssyncset.done $0x0  }
0xa0: {  	[sflag:s22] =	ssyncadd.s32 s4;
	_ =	sdelay $0x1  }
0xa1: {  	s23 =	simm.s32 $0x1B8B  }
0xa2: {  	_ =	swait.ge [sflag:s23], $0x1  }
0xa3: {  	[sflag:s23] =	ssyncset.done $0x0  }
0xa4: {  	s25 =	simm.s32 $0x1B8E;
	s24 =	sld [smem:$0x3FFE];
	[sflag:s23] =	ssyncadd.s32 $0xFFFFFFFF  }
0xa5: {  	s26 =	simm.s32 $execute0_lowered;
	[smem:$0x3FD2] =	sst s25  }
0xa6: {  	s5 =	sshll.u32 s26, $0x1;
	_ =	strace $0x80000049;
	[dreg:$0x1] =	wrdreg $0xFFFFFFFF  }
0xa7: {  	s28 =	simm.s32 $_size_execute0_lowered;
	s3 =	sadd.s32 s3, s5;
	[dreg:$0x0] =	wrdreg $0x0  }
0xa8: {  	s5 =	sshll.u32 s28, $0x1;
	[dreg:$0x2] =	wrdreg s3  }
0xa9: {  	[dreg:$0x3] =	wrdreg s5  }
0xaa: {  	[dreg:$0x4] =	wrdreg $0xC0  }
0xab: {  	_ =	task [dreg:s7], $0x5FFFF  }
0xac: {  	[dreg:$0x1] =	wrdreg $0xFFFFFFFF  }
0xad: {  	[dreg:$0x0] =	wrdreg $0x60  }
0xae: {  	[dreg:$0x2] =	wrdreg s2  }
0xaf: {  	[dreg:$0x3] =	wrdreg s24  }
0xb0: {  	[dreg:$0x4] =	wrdreg $0x90000  }
0xb1: {  	[dreg:$0x5] =	wrdreg $0x9  }
0xb2: {  	_ =	task.clear_ibuf [dreg:s7], $0x6FFFF;
	_ =	strace $0x90000049  }
0xb3: {  	s29 =	simm.s32 $0x9;
	_ =	strace $0x8000004B  }
0xb4: {  	_ =	swait.ge [sflag:s29], $0x1  }
0xb5: {  	[sflag:s29] =	ssyncadd.s32 $0xFFFFFFFF  }
0xb6: {  	_ =	strace $0x9000004B  }
0xb7: {  	_ =	sfence  }
0xb8: {  	s30 =	sld [smem:$0x0];
	_ =	sdelay $0x2  }
0xb9: {  	s31 =	sshll.u32 s1, $0xD;
	s1 =	sshrl.u32 s1, $0x2  }
0xba: {  	s3 =	sand.u32 $0x4000, s31;
	s1 =	sadd.s32 s1, s30  }
0xbb: {  	s0 =	sor.u32 s3, s0;
	s1 =	sshll.u32 s1, $0x11  }
0xbc: {  	s0 =	sor.u32 s1, s0  }
0xbd: {  	s0 =	sadd.s32 $0x8F2B, s0  }
0xbe: {  	[sflag:s0] =	ssyncadd.remote.s32 $0x1  }
0xbf: {  	_ =	sfence.sel $0xFFFF  }
0xc0: {  	[dreg:$0x0] =	wrdreg $0xFFFFFFFF;
	(pc) =	sbr.abs _section_cstart, $3  }
0xc1: {  	[dreg:$0x1] =	wrdreg $0xFFFFFFFF  }
0xc2: {  	_ =	task.clear_ibuf [dreg:s7], $0x2FFFF;
	_ =	strace $0x9FFFFFFF  }
0xc3: {  	(tm) =	ssettm $0x7FFFFFFF  }
tec
execute0_lowered:
.L_overlay_start_1:
0x0: {  	(tag) =	ssettag $0x1  }
0x1: {  	s2 =	rddreg [dreg:$0x0]  }
0x2: {  	s5 =	rddreg [dreg:$0x1];
	s0 =	srdreg.scid  }
0x3: {  	s3 =	rddreg [dreg:$0x2];
	s1 =	stileid.u32  }
0x4: {  	s4 =	simm.s32 $0x0;
	s14 =	simm.s32 $0x5000;
	s15 =	simm.s32 $0x3  }
0x5: {  	s16 =	simm.s32 $0x2800;
	s17 =	simm.s32 $0x80;
	s18 =	simm.s32 $0x7000  }
0x6: {  	s19 =	simm.s32 $0x1;
	s20 =	simm.s32 $0x2;
	s21 =	simm.s32 $0x2780  }
0x7: {  	s22 =	simm.s32 $0x4F00;
	s23 =	simm.s32 $0x4F80;
	s8 =	smul.u32 $0xA000, s1  }
0x8: {  	s6 =	sand.u32 $0x1, s0;
	s0 =	rddreg [dreg:$0x3];
	s10 =	smul.u32 $0x28000, s1  }
0x9: {  	[smem:$0x7FF] =	sst s4;
	s7 =	sshll.u32 s6, $0x4;
	s9 =	smul.u32 $0xA0000, s6  }
0xa: {  	_ =	strace $0x8000004A;
	s6 =	ssub.s32 $0x2, s6;
	s7 =	sor.u32 s1, s7  }
0xb: {  	s29 =	sshrl.u32 s6, $0x1;
	s30 =	sshrl.u32 s10, $0x2;
	s7 =	smul.u32 $0x500, s7  }
0xc: {  	s9 =	sadd.s32 s8, s9;
	s13 =	ssub.s32 s6, s29;
	s31 =	sadd.s32 s30, s3  }
0xd: {  	s28 =	sshrl.u32 s9, $0x3;
	s6 =	sadd.s32 $0x2000, s31;
	s9 =	sadd.s32 $0x8000, s31  }
0xe: {  	s13 =	smax.u32 s13, $0x1;
	s11 =	sadd.s32 s7, s5;
	s12 =	sadd.s32 s28, s5  }
0xf: {  	s5 =	sadd.s32 s8, s3;
	s7 =	sadd.s32 $0x4000, s31;
	s8 =	sadd.s32 $0x6000, s31  }
0x10: {  	v0 =	vimm.f32 $0.0e+00;
	s10 =	sadd.s32 $0xCA00, s11;
	s11 =	sadd.s32 $0x2A00, s11;
	s12 =	sadd.s32 $0x16A00, s12  }
.LBB2_1:
0x11: {  	s25 =	simm.s32 $0x100;
	s24 =	simm.s32 $0x0  }
.LBB2_2:
0x12: {  	p0 =	sne.s32 s25, $0x7F00;
	[tilespmem:s24+$0x5030] =	vst v0;
	s26 =	smov.u32 s25;
	s25 =	sadd.s32 $0x100, s25  }
.Ltmp0:
0x13: {  	[tilespmem:s24+$0x5020] =	vst v0;
	(pc) =	sbr.rel @p0 .LBB2_2-.Ltmp0, $3  }
0x14: {  	[tilespmem:s24+$0x5000] =	vst v0  }
0x15: {  	[tilespmem:s24+$0x5010] =	vst v0;
	_ =	sdelay $0x1  }
0x16: {  	s24 =	sshra.s32 s26, $0x2  }
0x17: {  	[tilespmem:s24+$0x5030] =	vst v0  }
0x18: {  	[tilespmem:s24+$0x5020] =	vst v0  }
0x19: {  	[tilespmem:s24+$0x5000] =	vst v0  }
0x1a: {  	[tilespmem:s24+$0x5010] =	vst v0  }
0x1b: {  	[spmem:s5] =	stream.linear.scatter [tilespmem:s14], [sflag:$0x3], $0x2000, $0x38;
	[tilespmem:$0x13000] =	vst v63  }
0x1c: {  	_ =	swait.ge [sflag:s15], $0x2000  }
0x1d: {  	[sflag:s15] =	ssyncset.done $0x0  }
0x1e: {  	[sflag:s15] =	ssyncadd.s32 $0xFFFFE000  }
0x1f: {  	[spmem:s6] =	stream.linear.scatter [tilespmem:s14], [sflag:$0x3], $0x2000, $0x38;
	[tilespmem:$0x13000] =	vst v63  }
0x20: {  	_ =	swait.ge [sflag:s15], $0x2000  }
0x21: {  	[sflag:s15] =	ssyncset.done $0x0  }
0x22: {  	[sflag:s15] =	ssyncadd.s32 $0xFFFFE000  }
0x23: {  	[spmem:s7] =	stream.linear.scatter [tilespmem:s14], [sflag:$0x3], $0x2000, $0x38;
	[tilespmem:$0x13000] =	vst v63  }
0x24: {  	_ =	swait.ge [sflag:s15], $0x2000  }
0x25: {  	[sflag:s15] =	ssyncset.done $0x0  }
0x26: {  	[sflag:s15] =	ssyncadd.s32 $0xFFFFE000  }
0x27: {  	[spmem:s8] =	stream.linear.scatter [tilespmem:s14], [sflag:$0x3], $0x2000, $0x38;
	[tilespmem:$0x13000] =	vst v63  }
0x28: {  	_ =	swait.ge [sflag:s15], $0x2000  }
0x29: {  	[sflag:s15] =	ssyncset.done $0x0  }
0x2a: {  	[sflag:s15] =	ssyncadd.s32 $0xFFFFE000  }
0x2b: {  	[spmem:s9] =	stream.linear.scatter [tilespmem:s14], [sflag:$0x3], $0x2000, $0x38;
	[tilespmem:$0x13000] =	vst v63  }
0x2c: {  	_ =	swait.ge [sflag:s15], $0x2000  }
0x2d: {  	[sflag:s15] =	ssyncset.done $0x0  }
0x2e: {  	[sflag:s15] =	ssyncadd.s32 $0xFFFFE000  }
0x2f: {  	s26 =	simm.s32 $0x0;
	[bflag:$0x0] =	sbarrier.arrive $0xFFFF  }
0x30: {  	[tilespmem:s26], [sflag:$0x3] =	stream.linear.gather [hbm4b:s10+s26], $0x2800, $0x38;
	[tilespmem:$0x13000] =	vst v63  }
0x31: {  	_ =	swait.ge [sflag:s15], $0x2800  }
0x32: {  	[sflag:s15] =	ssyncset.done $0x0  }
0x33: {  	[sflag:s15] =	ssyncadd.s32 $0xFFFFD800  }
0x34: {  	[tilespmem:s16], [sflag:$0x3] =	stream.linear.gather [hbm4b:s11+s26], $0x2800, $0x38;
	[tilespmem:$0x13000] =	vst v63  }
0x35: {  	_ =	swait.ge [sflag:s15], $0x2800  }
0x36: {  	[sflag:s15] =	ssyncset.done $0x0  }
0x37: {  	[sflag:s15] =	ssyncadd.s32 $0xFFFFD800  }
0x38: {  	[tilespmem:s14], [sflag:$0x1] =	stream.indirect.gather [hbm4b:s2+s17], $0x40, s26, s17, $0xb8;
	[tilespmem:$0x13000] =	vst v63  }
0x39: {  	s28 =	simm.s32 $0x80  }
0x3a: {  	[tilespmem:s18], [sflag:$0x2] =	stream.indirect.gather [hbm4b:s2+s17], $0x40, s28, s17, $0xb8;
	[tilespmem:$0x13000] =	vst v63  }
0x3b: {  	_ =	swait.ge [sflag:s19], $0x2000  }
0x3c: {  	[sflag:s19] =	ssyncset.done $0x0  }
0x3d: {  	s29 =	simm.s32 $0x2800;
	[sflag:s19] =	ssyncadd.s32 $0xFFFFE000  }
0x3e: {  	[spmem:s3] =	stream.indirect.scatter.add.f32 [tilespmem:s14], [sflag:$0x3], $0x40, s29, s17, $0xb8;
	[tilespmem:$0x13000] =	vst v63  }
0x3f: {  	_ =	swait.ge [sflag:s15], $0x2000  }
0x40: {  	[sflag:s15] =	ssyncset.done $0x0  }
0x41: {  	s30 =	simm.s32 $0x100;
	[sflag:s15] =	ssyncadd.s32 $0xFFFFE000  }
0x42: {  	[tilespmem:s14], [sflag:$0x1] =	stream.indirect.gather [hbm4b:s2+s17], $0x40, s30, s17, $0xb8;
	[tilespmem:$0x13000] =	vst v63  }
0x43: {  	_ =	swait.ge [sflag:s20], $0x2000  }
0x44: {  	[sflag:s20] =	ssyncset.done $0x0  }
0x45: {  	s31 =	simm.s32 $0x2880;
	[sflag:s20] =	ssyncadd.s32 $0xFFFFE000  }
0x46: {  	[spmem:s3] =	stream.indirect.scatter.add.f32 [tilespmem:s18], [sflag:$0x3], $0x40, s31, s17, $0xb8;
	[tilespmem:$0x13000] =	vst v63  }
0x47: {  	_ =	swait.ge [sflag:s15], $0x2000  }
0x48: {  	s25 =	simm.s32 $0x800;
	s24 =	simm.s32 $0x100;
	[sflag:s15] =	ssyncset.done $0x0  }
.LBB2_4:
0x49: {  	s26 =	sadd.s32 $0x80, s24  }
0x4a: {  	[sflag:s15] =	ssyncadd.s32 $0xFFFFE000;
	s28 =	smov.u32 s25;
	s29 =	sadd.s32 $0x400, s25  }
0x4b: {  	[tilespmem:s18], [sflag:$0x2] =	stream.indirect.gather [hbm4b:s2+s17], $0x40, s26, s17, $0xb8;
	[tilespmem:$0x13000] =	vst v63  }
0x4c: {  	p0 =	sne.s32 s25, $0x9800;
	_ =	swait.ge [sflag:s19], $0x2000  }
0x4d: {  	[sflag:s19] =	ssyncset.done $0x0  }
0x4e: {  	s25 =	sadd.s32 $0x2800, s24;
	[sflag:s19] =	ssyncadd.s32 $0xFFFFE000  }
0x4f: {  	[spmem:s3] =	stream.indirect.scatter.add.f32 [tilespmem:s14], [sflag:$0x3], $0x40, s25, s17, $0xb8;
	[tilespmem:$0x13000] =	vst v63  }
0x50: {  	_ =	swait.ge [sflag:s15], $0x2000  }
0x51: {  	[sflag:s15] =	ssyncset.done $0x0  }
0x52: {  	s25 =	sadd.s32 $0x100, s24;
	[sflag:s15] =	ssyncadd.s32 $0xFFFFE000  }
0x53: {  	[tilespmem:s14], [sflag:$0x1] =	stream.indirect.gather [hbm4b:s2+s17], $0x40, s25, s17, $0xb8;
	[tilespmem:$0x13000] =	vst v63  }
0x54: {  	_ =	swait.ge [sflag:s20], $0x2000  }
.Ltmp1:
0x55: {  	[sflag:s20] =	ssyncset.done $0x0;
	(pc) =	sbr.rel @p0 .LBB2_4-.Ltmp1, $4  }
0x56: {  	s24 =	sadd.s32 $0x2880, s24;
	[sflag:s20] =	ssyncadd.s32 $0xFFFFE000  }
0x57: {  	[spmem:s3] =	stream.indirect.scatter.add.f32 [tilespmem:s18], [sflag:$0x3], $0x40, s24, s17, $0xb8;
	[tilespmem:$0x13000] =	vst v63  }
0x58: {  	_ =	swait.ge [sflag:s15], $0x2000  }
0x59: {  	s25 =	smov.u32 s29;
	s24 =	sshra.s32 s28, $0x2;
	[sflag:s15] =	ssyncset.done $0x0  }
0x5a: {  	s25 =	sadd.s32 $0x80, s24;
	[sflag:s15] =	ssyncadd.s32 $0xFFFFE000  }
0x5b: {  	[tilespmem:s18], [sflag:$0x2] =	stream.indirect.gather [hbm4b:s2+s17], $0x40, s25, s17, $0xb8;
	[tilespmem:$0x13000] =	vst v63  }
0x5c: {  	_ =	swait.ge [sflag:s19], $0x2000  }
0x5d: {  	[sflag:s19] =	ssyncset.done $0x0  }
0x5e: {  	s26 =	sadd.s32 $0x2800, s24;
	[sflag:s19] =	ssyncadd.s32 $0xFFFFE000  }
0x5f: {  	[spmem:s3] =	stream.indirect.scatter.add.f32 [tilespmem:s14], [sflag:$0x3], $0x40, s26, s17, $0xb8;
	[tilespmem:$0x13000] =	vst v63  }
0x60: {  	_ =	swait.ge [sflag:s15], $0x2000  }
0x61: {  	[sflag:s15] =	ssyncset.done $0x0  }
0x62: {  	s28 =	sadd.s32 $0x100, s24;
	[sflag:s15] =	ssyncadd.s32 $0xFFFFE000  }
0x63: {  	[tilespmem:s14], [sflag:$0x1] =	stream.indirect.gather [hbm4b:s2+s17], $0x40, s28, s17, $0xb8;
	[tilespmem:$0x13000] =	vst v63  }
0x64: {  	_ =	swait.ge [sflag:s20], $0x2000  }
0x65: {  	[sflag:s20] =	ssyncset.done $0x0  }
0x66: {  	s29 =	sadd.s32 $0x2880, s24;
	[sflag:s20] =	ssyncadd.s32 $0xFFFFE000  }
0x67: {  	[spmem:s3] =	stream.indirect.scatter.add.f32 [tilespmem:s18], [sflag:$0x3], $0x40, s29, s17, $0xb8;
	[tilespmem:$0x13000] =	vst v63  }
0x68: {  	_ =	swait.ge [sflag:s15], $0x2000  }
0x69: {  	[sflag:s15] =	ssyncset.done $0x0  }
0x6a: {  	[sflag:s15] =	ssyncadd.s32 $0xFFFFE000  }
0x6b: {  	[tilespmem:s18], [sflag:$0x2] =	stream.indirect.gather [hbm4b:s2+s17], $0x40, s21, s17, $0xb8;
	[tilespmem:$0x13000] =	vst v63  }
0x6c: {  	_ =	swait.ge [sflag:s19], $0x2000  }
0x6d: {  	[sflag:s19] =	ssyncset.done $0x0  }
0x6e: {  	[sflag:s19] =	ssyncadd.s32 $0xFFFFE000  }
0x6f: {  	[spmem:s3] =	stream.indirect.scatter.add.f32 [tilespmem:s14], [sflag:$0x3], $0x40, s22, s17, $0xb8;
	[tilespmem:$0x13000] =	vst v63  }
0x70: {  	_ =	swait.ge [sflag:s15], $0x2000  }
0x71: {  	[sflag:s15] =	ssyncset.done $0x0  }
0x72: {  	[sflag:s15] =	ssyncadd.s32 $0xFFFFE000  }
0x73: {  	_ =	swait.ge [sflag:s20], $0x2000  }
0x74: {  	[sflag:s20] =	ssyncset.done $0x0  }
0x75: {  	[sflag:s20] =	ssyncadd.s32 $0xFFFFE000  }
0x76: {  	[spmem:s3] =	stream.indirect.scatter.add.f32 [tilespmem:s18], [sflag:$0x3], $0x40, s23, s17, $0xb8;
	[tilespmem:$0x13000] =	vst v63  }
0x77: {  	_ =	swait.ge [sflag:s15], $0x2000  }
0x78: {  	s30 =	sshll.u32 s1, $0x6;
	s4 =	sadd.s32 $0x1, s4;
	[sflag:s15] =	ssyncset.done $0x0  }
0x79: {  	s31 =	sshrl.u32 s5, $0x3;
	p0 =	sne.s32 s4, s13;
	[sflag:s15] =	ssyncadd.s32 $0xFFFFE000  }
.Ltmp2:
0x7a: {  	s24 =	sor.u32 $0x1C03, s30;
	[bflag:$0x0] =	sbarrier.arrive $0xFFFF;
	(pc) =	sbr.rel @p0 .LBB2_1-.Ltmp2, $4  }
0x7b: {  	[hbm:s12], [sflag:s24] =	dma.local [spmem:s31], $0x1400  }
0x7c: {  	_ =	swait.ge [sflag:s15], $0x1400  }
0x7d: {  	[sflag:s15] =	ssyncset.done $0x0  }
0x7e: {  	[sflag:s15] =	ssyncadd.s32 $0xFFFFEC00  }
0x7f: {  	_ =	sfence.sel $0x180000  }
0x80: {  	[bflag:$0x0] =	sbarrier.arrive $0xFFFF  }
0x81: {  	p0 =	sne.s32 s1, $0x0;
	_ =	strace $0x9000004A  }
0x82: {  	s0 =	sadd.s32 @!p0 $0x100000, s0;
	[bflag:$0x2] =	sbarrier.arrive $0xFFFF  }
0x83: {  	[sflag:s0] =	ssyncadd.tile.s32 @!p0 $0x1;
	_ =	shalt  }
.Lfunc_end2:
_tile_overlayer_lowered:
.L_overlay_start_2:
0x84: {  	(tag) =	ssettag $0x2  }
0x85: {  	s0 =	rddreg [dreg:$0x0];
	s2 =	stileid.u32  }
0x86: {  	s1 =	rddreg [dreg:$0x1];
	p0 =	sne.s32 s2, $0x0  }
0x87: {  	s3 =	rddreg [dreg:$0x2];
	[bflag:$0x3] =	sbarrier.arrive $0xFFFF;
	s2 =	simm.s32 @!p0 $0x1C03  }
0x88: {  	[timem:s3], [sflag:s2] =	dma.local @!p0 [hbm:s0], s1  }
0x89: {  	s0 =	simm.s32 @!p0 $0x3  }
0x8a: {  	_ =	swait.ge @!p0 [sflag:s0], s1  }
0x8b: {  	s1 =	ssub.s32 @!p0 $0x0, s1;
	[sflag:s0] =	ssyncset.done @!p0 $0x0  }
0x8c: {  	[sflag:s0] =	ssyncadd.s32 @!p0 s1  }
0x8d: {  	[bflag:$0x3] =	sbarrier.arrive $0xFFFF  }
0x8e: {  	_ =	shalt  }

// kernel: kernel.14.cloned.1.call-start
scs
__scs_entry_jumppad:
0x0: {  	(pc) =	sbr.rel $0x88, $3  }
0x1: {  	(tag) =	ssettag $0x0;
	lr =	simm.s32 $0x1  }
0x2: {  	[smem:$0x3F99] =	sst lr;
	_ =	strace $0xD0000000  }
0x3: {  	_ = 	snop  }
0x4: {  	_ = 	snop  }
0x5: {  	_ = 	snop  }
0x6: {  	_ = 	snop  }
0x7: {  	_ = 	snop  }
__scs_overlays_trampoline_lowered:
0x8: {  	[smem:$0x3FA8] =	sst s0  }
0x9: {  	[smem:$0x3FA9] =	sst s1  }
0xa: {  	[smem:$0x3FAA] =	sst s2  }
0xb: {  	[smem:$0x3FAB] =	sst s3  }
0xc: {  	[smem:$0x3FAC] =	sst s4  }
0xd: {  	[smem:$0x3FAD] =	sst s5  }
0xe: {  	[smem:$0x3FAE] =	sst s6  }
0xf: {  	[smem:$0x3FAF] =	sst s7  }
0x10: {  	[smem:$0x3FB0] =	sst s8  }
0x11: {  	[smem:$0x3FB1] =	sst s9;
	s0 =	simm.s32 @!p0 $0x0  }
0x12: {  	s1 =	sld [smem:$0x3F97];
	s0 =	simm.s32 @p0 $0x1  }
0x13: {  	[smem:$0x3FB2] =	sst s0;
	s0 =	simm.s32 @!p1 $0x0  }
0x14: {  	s2 =	sld [smem:$0x3F96];
	s0 =	simm.s32 @p1 $0x1  }
0x15: {  	[smem:$0x3FB3] =	sst s0;
	s0 =	simm.s32 @!p2 $0x0  }
0x16: {  	s3 =	sld [smem:$0x3FDB];
	s0 =	simm.s32 @p2 $0x1  }
0x17: {  	s4 =	simm.s32 $0x1BF5;
	[smem:$0x3FB5] =	sst s0  }
0x18: {  	s0 =	sld [smem:$0x3F98];
	_ =	swait.ge [sflag:s4], $0x0  }
0x19: {  	s7 =	sld [smem:$0x3F99]  }
0x1a: {  	s8 =	sadd.s32 $0xFFFFE003, lr  }
0x1b: {  	s9 =	sadd.s32 $0xFFFFFEF7, lr;
	s5 =	simm.s32 $0xFFFFFFFF;
	p2 =	slt.u32 s8, $0xFFFFF086  }
0x1c: {  	p1 =	slt.u32 s9, $0xF7A;
	s5 =	simm.s32 @!p2 $0x0  }
0x1d: {  	s5 =	simm.s32 @p1 $0x1;
	p0 =	seq.s32 s7, s2  }
0x1e: {  	s7 =	smul.u32 @!p0 $0xF7A, s2;
	p2 =	seq.s32 @!p0 s5, $0x0  }
0x1f: {  	s9 =	smul.u32 $0xF7A, s1;
	s8 =	simm.s32 @!p0 $0x1BF5;
	p2 =	por !p2, p0  }
0x20: {  	[sflag:s8] =	ssyncset.s32 @!p0 $0xFFFFF086;
	s6 =	sadd.s32 @!p0 s3, s7;
	s7 =	simm.s32 @!p0 $0x108  }
0x21: {  	s3 =	sadd.s32 s3, s9;
	s6 =	sadd.s32 @!p0 $0x88, s6;
	s7 =	simm.s32 @p2 $0x1082  }
0x22: {  	[simem:s7], [sflag:s8] =	dma.local @!p0 [hbm:s6], $0xF7A  }
0x23: {  	s9 =	sor.u32 $0xD0000000, s2;
	s6 =	simm.s32 $0x108;
	_ =	swait.ge @!p0 [sflag:s8], $0x0  }
0x24: {  	s3 =	sadd.s32 $0x88, s3;
	s6 =	simm.s32 @!p1 $0x1082;
	[sflag:s4] =	ssyncset.s32 $0xFFFFF086  }
0x25: {  	[simem:s6], [sflag:s4] =	dma.local [hbm:s3], $0xF7A  }
0x26: {  	[smem:$0x3F99] =	sst s1;
	(tag) =	ssettag s2;
	_ =	strace s9  }
0x27: {  	s1 =	sld [smem:$0x3FA9]  }
0x28: {  	s2 =	sld [smem:$0x3FAA]  }
0x29: {  	s4 =	sld [smem:$0x3FAC]  }
0x2a: {  	p0 =	seq.s32 s5, $0x0;
	s5 =	sld [smem:$0x3FAD]  }
0x2b: {  	s6 =	sld [smem:$0x3FAE]  }
0x2c: {  	s7 =	sld [smem:$0x3FAF]  }
0x2d: {  	s3 =	simm.s32 $0x108;
	s8 =	sld [smem:$0x3FB0]  }
0x2e: {  	s3 =	simm.s32 @!p0 $0x1082;
	s9 =	sld [smem:$0x3FB1]  }
0x2f: {  	lr =	sadd.s32 s0, s3;
	s0 =	sld [smem:$0x3FA8]  }
0x30: {  	s3 =	sld [smem:$0x3FAB]  }
0x31: {  	[smem:$0x3FB4] =	sst s10  }
0x32: {  	s10 =	sld [smem:$0x3FB2];
	_ =	sdelay $0x3  }
0x33: {  	p0 =	seq.s32 s10, $0x1;
	s10 =	sld [smem:$0x3FB4];
	_ =	sdelay $0x3  }
0x34: {  	[smem:$0x3FB4] =	sst s10  }
0x35: {  	s10 =	sld [smem:$0x3FB3];
	_ =	sdelay $0x3  }
0x36: {  	p1 =	seq.s32 s10, $0x1;
	s10 =	sld [smem:$0x3FB4];
	_ =	sdelay $0x3  }
0x37: {  	[smem:$0x3FB4] =	sst s10  }
0x38: {  	s10 =	sld [smem:$0x3FB5]  }
0x39: {  	_ = 	snop;
	(pc) =	sbr.ind lr, $3  }
0x3a: {  	_ = 	snop  }
0x3b: {  	_ = 	snop  }
0x3c: {  	p2 =	seq.s32 s10, $0x1;
	s10 =	sld [smem:$0x3FB4]  }
0x3d: {  	_ =	shalt  }
0x3e: {  	_ =	shalt  }
0x3f: {  	_ =	shalt  }
0x40: {  	_ =	shalt  }
0x41: {  	_ =	shalt  }
0x42: {  	_ =	shalt  }
0x43: {  	_ =	shalt  }
0x44: {  	_ =	shalt  }
0x45: {  	_ =	shalt  }
0x46: {  	_ =	shalt  }
0x47: {  	_ =	shalt  }
0x48: {  	_ =	shalt  }
0x49: {  	_ =	shalt  }
0x4a: {  	_ =	shalt  }
0x4b: {  	_ =	shalt  }
0x4c: {  	_ =	shalt  }
0x4d: {  	_ =	shalt  }
0x4e: {  	_ =	shalt  }
0x4f: {  	_ =	shalt  }
0x50: {  	_ =	shalt  }
0x51: {  	_ =	shalt  }
0x52: {  	_ =	shalt  }
0x53: {  	_ =	shalt  }
0x54: {  	_ =	shalt  }
0x55: {  	_ =	shalt  }
0x56: {  	_ =	shalt  }
0x57: {  	_ =	shalt  }
0x58: {  	_ =	shalt  }
0x59: {  	_ =	shalt  }
0x5a: {  	_ =	shalt  }
0x5b: {  	_ =	shalt  }
0x5c: {  	_ =	shalt  }
0x5d: {  	_ =	shalt  }
0x5e: {  	_ =	shalt  }
0x5f: {  	_ =	shalt  }
0x60: {  	_ =	shalt  }
0x61: {  	_ =	shalt  }
0x62: {  	_ =	shalt  }
0x63: {  	_ =	shalt  }
0x64: {  	_ =	shalt  }
0x65: {  	_ =	shalt  }
0x66: {  	_ =	shalt  }
0x67: {  	_ =	shalt  }
0x68: {  	_ =	shalt  }
0x69: {  	_ =	shalt  }
0x6a: {  	_ =	shalt  }
0x6b: {  	_ =	shalt  }
0x6c: {  	_ =	shalt  }
0x6d: {  	_ =	shalt  }
0x6e: {  	_ =	shalt  }
0x6f: {  	_ =	shalt  }
0x70: {  	_ =	shalt  }
0x71: {  	_ =	shalt  }
0x72: {  	_ =	shalt  }
0x73: {  	_ =	shalt  }
0x74: {  	_ =	shalt  }
0x75: {  	_ =	shalt  }
0x76: {  	_ =	shalt  }
0x77: {  	_ =	shalt  }
0x78: {  	_ =	shalt  }
0x79: {  	_ =	shalt  }
0x7a: {  	_ =	shalt  }
0x7b: {  	_ =	shalt  }
0x7c: {  	_ =	shalt  }
0x7d: {  	_ =	shalt  }
0x7e: {  	_ =	shalt  }
0x7f: {  	_ =	shalt  }
0x80: {  	_ =	shalt  }
0x81: {  	_ =	shalt  }
0x82: {  	_ =	shalt  }
0x83: {  	_ =	shalt  }
0x84: {  	_ =	shalt  }
0x85: {  	_ =	shalt  }
0x86: {  	_ =	shalt  }
0x87: {  	_ =	shalt  }
.Lfunc_end0:
.L_simem_size_0:
called_computation.2_lowered:
.L_overlay_start_0:
0x88: {  	s2 =	sld [smem:$0x3FD9]  }
0x89: {  	s3 =	sld [smem:$0x3FFE];
	_ =	sdelay $0x1  }
0x8a: {  	s1 =	srdreg.scid  }
0x8b: {  	s0 =	sand.u32 $0x1, s1  }
0x8c: {  	s17 =	sshll.u32 s0, $0xA;
	s2 =	sadd.s32 s3, s2  }
0x8d: {  	s2 =	sadd.s32 s2, s17  }
0x8e: {  	[smem:$0x3FC0] =	sst s2  }
0x8f: {  	_ = 	snop  }
0x90: {  	s2 =	sld [smem:$0x3FD0];
	(tm) =	ssettm $0x1  }
0x91: {  	s18 =	sld [smem:$0x3FFB];
	_ =	sdelay $0x3  }
0x92: {  	_ =	strace s18  }
0x93: {  	s3 =	sld [smem:$0x3FFC];
	_ =	sdelay $0x3  }
0x94: {  	_ =	strace s3  }
0x95: {  	s3 =	sld [smem:$0x3FFD];
	_ =	sdelay $0x3  }
0x96: {  	_ =	strace s3  }
0x97: {  	_ =	strace $0x8FFFFFFF  }
0x98: {  	s19 =	sld [smem:$0x3FDB];
	_ =	sdelay $0x1  }
0x99: {  	s4 =	simm.s32 $_scs_section_size  }
0x9a: {  	s5 =	simm.s32 $_size__tile_overlayer_lowered;
	s6 =	simm.s32 $_tile_overlayer_lowered  }
0x9b: {  	s22 =	simm.s32 $0x1BFF;
	s21 =	sshll.u32 s6, $0x1;
	s3 =	sadd.s32 s4, s19  }
0x9c: {  	s7 =	simm.s32 $0x0;
	s20 =	sshll.u32 s5, $0x1;
	s5 =	sadd.s32 s21, s3  }
0x9d: {  	[timem:s7], [sflag:s22] =	dma.local [hbm:s5], s20  }
0x9e: {  	_ =	swait.ge [sflag:s22], s20  }
0x9f: {  	s4 =	ssub.s32 $0x0, s20;
	[sflag:s22] =	ssyncset.done $0x0  }
0xa0: {  	[sflag:s22] =	ssyncadd.s32 s4;
	_ =	sdelay $0x1  }
0xa1: {  	s23 =	simm.s32 $0x1B8B  }
0xa2: {  	_ =	swait.ge [sflag:s23], $0x1  }
0xa3: {  	[sflag:s23] =	ssyncset.done $0x0  }
0xa4: {  	s25 =	simm.s32 $0x1B8E;
	s24 =	sld [smem:$0x3FFE];
	[sflag:s23] =	ssyncadd.s32 $0xFFFFFFFF  }
0xa5: {  	s26 =	simm.s32 $execute0_lowered;
	[smem:$0x3FD2] =	sst s25  }
0xa6: {  	s5 =	sshll.u32 s26, $0x1;
	_ =	strace $0x8000004C;
	[dreg:$0x1] =	wrdreg $0xFFFFFFFF  }
0xa7: {  	s28 =	simm.s32 $_size_execute0_lowered;
	s3 =	sadd.s32 s3, s5;
	[dreg:$0x0] =	wrdreg $0x0  }
0xa8: {  	s5 =	sshll.u32 s28, $0x1;
	[dreg:$0x2] =	wrdreg s3  }
0xa9: {  	[dreg:$0x3] =	wrdreg s5  }
0xaa: {  	[dreg:$0x4] =	wrdreg $0xC0  }
0xab: {  	_ =	task [dreg:s7], $0x5FFFF  }
0xac: {  	[dreg:$0x1] =	wrdreg $0xFFFFFFFF  }
0xad: {  	[dreg:$0x0] =	wrdreg $0x60  }
0xae: {  	[dreg:$0x2] =	wrdreg s2  }
0xaf: {  	[dreg:$0x3] =	wrdreg s24  }
0xb0: {  	[dreg:$0x4] =	wrdreg $0x90000  }
0xb1: {  	[dreg:$0x5] =	wrdreg $0x9  }
0xb2: {  	_ =	task.clear_ibuf [dreg:s7], $0x6FFFF;
	_ =	strace $0x9000004C  }
0xb3: {  	s29 =	simm.s32 $0x9;
	_ =	strace $0x8000004E  }
0xb4: {  	_ =	swait.ge [sflag:s29], $0x1  }
0xb5: {  	[sflag:s29] =	ssyncadd.s32 $0xFFFFFFFF  }
0xb6: {  	_ =	strace $0x9000004E  }
0xb7: {  	_ =	sfence  }
0xb8: {  	s30 =	sld [smem:$0x0];
	_ =	sdelay $0x2  }
0xb9: {  	s31 =	sshll.u32 s1, $0xD;
	s1 =	sshrl.u32 s1, $0x2  }
0xba: {  	s3 =	sand.u32 $0x4000, s31;
	s1 =	sadd.s32 s1, s30  }
0xbb: {  	s0 =	sor.u32 s3, s0;
	s1 =	sshll.u32 s1, $0x11  }
0xbc: {  	s0 =	sor.u32 s1, s0  }
0xbd: {  	s0 =	sadd.s32 $0x8F2B, s0  }
0xbe: {  	[sflag:s0] =	ssyncadd.remote.s32 $0x1  }
0xbf: {  	_ =	sfence.sel $0xFFFF  }
0xc0: {  	[dreg:$0x0] =	wrdreg $0xFFFFFFFF;
	(pc) =	sbr.abs _section_cstart, $3  }
0xc1: {  	[dreg:$0x1] =	wrdreg $0xFFFFFFFF  }
0xc2: {  	_ =	task.clear_ibuf [dreg:s7], $0x2FFFF;
	_ =	strace $0x9FFFFFFF  }
0xc3: {  	(tm) =	ssettm $0x7FFFFFFF  }
tec
execute0_lowered:
.L_overlay_start_1:
0x0: {  	(tag) =	ssettag $0x1  }
0x1: {  	s2 =	rddreg [dreg:$0x0]  }
0x2: {  	s5 =	rddreg [dreg:$0x1];
	s0 =	srdreg.scid  }
0x3: {  	s3 =	rddreg [dreg:$0x2];
	s1 =	stileid.u32  }
0x4: {  	s4 =	simm.s32 $0x0;
	s14 =	simm.s32 $0x5000;
	s15 =	simm.s32 $0x3  }
0x5: {  	s16 =	simm.s32 $0x2800;
	s17 =	simm.s32 $0x80;
	s18 =	simm.s32 $0x7000  }
0x6: {  	s19 =	simm.s32 $0x1;
	s20 =	simm.s32 $0x2;
	s21 =	simm.s32 $0x2780  }
0x7: {  	s22 =	simm.s32 $0x4F00;
	s23 =	simm.s32 $0x4F80;
	s8 =	smul.u32 $0xA000, s1  }
0x8: {  	s6 =	sand.u32 $0x1, s0;
	s0 =	rddreg [dreg:$0x3];
	s10 =	smul.u32 $0x28000, s1  }
0x9: {  	[smem:$0x7FF] =	sst s4;
	s7 =	sshll.u32 s6, $0x4;
	s9 =	smul.u32 $0xA0000, s6  }
0xa: {  	_ =	strace $0x8000004D;
	s6 =	ssub.s32 $0x2, s6;
	s7 =	sor.u32 s1, s7  }
0xb: {  	s29 =	sshrl.u32 s6, $0x1;
	s30 =	sshrl.u32 s10, $0x2;
	s7 =	smul.u32 $0x500, s7  }
0xc: {  	s9 =	sadd.s32 s8, s9;
	s13 =	ssub.s32 s6, s29;
	s31 =	sadd.s32 s30, s3  }
0xd: {  	s28 =	sshrl.u32 s9, $0x3;
	s6 =	sadd.s32 $0x2000, s31;
	s9 =	sadd.s32 $0x8000, s31  }
0xe: {  	s13 =	smax.u32 s13, $0x1;
	s11 =	sadd.s32 s7, s5;
	s12 =	sadd.s32 s28, s5  }
0xf: {  	s5 =	sadd.s32 s8, s3;
	s7 =	sadd.s32 $0x4000, s31;
	s8 =	sadd.s32 $0x6000, s31  }
0x10: {  	v0 =	vimm.f32 $0.0e+00;
	s10 =	sadd.s32 $0xCA00, s11;
	s11 =	sadd.s32 $0x2A00, s11;
	s12 =	sadd.s32 $0x16A00, s12  }
.LBB2_1:
0x11: {  	s25 =	simm.s32 $0x100;
	s24 =	simm.s32 $0x0  }
.LBB2_2:
0x12: {  	p0 =	sne.s32 s25, $0x7F00;
	[tilespmem:s24+$0x5030] =	vst v0;
	s26 =	smov.u32 s25;
	s25 =	sadd.s32 $0x100, s25  }
.Ltmp0:
0x13: {  	[tilespmem:s24+$0x5020] =	vst v0;
	(pc) =	sbr.rel @p0 .LBB2_2-.Ltmp0, $3  }
0x14: {  	[tilespmem:s24+$0x5000] =	vst v0  }
0x15: {  	[tilespmem:s24+$0x5010] =	vst v0;
	_ =	sdelay $0x1  }
0x16: {  	s24 =	sshra.s32 s26, $0x2  }
0x17: {  	[tilespmem:s24+$0x5030] =	vst v0  }
0x18: {  	[tilespmem:s24+$0x5020] =	vst v0  }
0x19: {  	[tilespmem:s24+$0x5000] =	vst v0  }
0x1a: {  	[tilespmem:s24+$0x5010] =	vst v0  }
0x1b: {  	[spmem:s5] =	stream.linear.scatter [tilespmem:s14], [sflag:$0x3], $0x2000, $0x38;
	[tilespmem:$0x13000] =	vst v63  }
0x1c: {  	_ =	swait.ge [sflag:s15], $0x2000  }
0x1d: {  	[sflag:s15] =	ssyncset.done $0x0  }
0x1e: {  	[sflag:s15] =	ssyncadd.s32 $0xFFFFE000  }
0x1f: {  	[spmem:s6] =	stream.linear.scatter [tilespmem:s14], [sflag:$0x3], $0x2000, $0x38;
	[tilespmem:$0x13000] =	vst v63  }
0x20: {  	_ =	swait.ge [sflag:s15], $0x2000  }
0x21: {  	[sflag:s15] =	ssyncset.done $0x0  }
0x22: {  	[sflag:s15] =	ssyncadd.s32 $0xFFFFE000  }
0x23: {  	[spmem:s7] =	stream.linear.scatter [tilespmem:s14], [sflag:$0x3], $0x2000, $0x38;
	[tilespmem:$0x13000] =	vst v63  }
0x24: {  	_ =	swait.ge [sflag:s15], $0x2000  }
0x25: {  	[sflag:s15] =	ssyncset.done $0x0  }
0x26: {  	[sflag:s15] =	ssyncadd.s32 $0xFFFFE000  }
0x27: {  	[spmem:s8] =	stream.linear.scatter [tilespmem:s14], [sflag:$0x3], $0x2000, $0x38;
	[tilespmem:$0x13000] =	vst v63  }
0x28: {  	_ =	swait.ge [sflag:s15], $0x2000  }
0x29: {  	[sflag:s15] =	ssyncset.done $0x0  }
0x2a: {  	[sflag:s15] =	ssyncadd.s32 $0xFFFFE000  }
0x2b: {  	[spmem:s9] =	stream.linear.scatter [tilespmem:s14], [sflag:$0x3], $0x2000, $0x38;
	[tilespmem:$0x13000] =	vst v63  }
0x2c: {  	_ =	swait.ge [sflag:s15], $0x2000  }
0x2d: {  	[sflag:s15] =	ssyncset.done $0x0  }
0x2e: {  	[sflag:s15] =	ssyncadd.s32 $0xFFFFE000  }
0x2f: {  	s26 =	simm.s32 $0x0;
	[bflag:$0x0] =	sbarrier.arrive $0xFFFF  }
0x30: {  	[tilespmem:s26], [sflag:$0x3] =	stream.linear.gather [hbm4b:s10+s26], $0x2800, $0x38;
	[tilespmem:$0x13000] =	vst v63  }
0x31: {  	_ =	swait.ge [sflag:s15], $0x2800  }
0x32: {  	[sflag:s15] =	ssyncset.done $0x0  }
0x33: {  	[sflag:s15] =	ssyncadd.s32 $0xFFFFD800  }
0x34: {  	[tilespmem:s16], [sflag:$0x3] =	stream.linear.gather [hbm4b:s11+s26], $0x2800, $0x38;
	[tilespmem:$0x13000] =	vst v63  }
0x35: {  	_ =	swait.ge [sflag:s15], $0x2800  }
0x36: {  	[sflag:s15] =	ssyncset.done $0x0  }
0x37: {  	[sflag:s15] =	ssyncadd.s32 $0xFFFFD800  }
0x38: {  	[tilespmem:s14], [sflag:$0x1] =	stream.indirect.gather [hbm4b:s2+s17], $0x40, s26, s17, $0xb8;
	[tilespmem:$0x13000] =	vst v63  }
0x39: {  	s28 =	simm.s32 $0x80  }
0x3a: {  	[tilespmem:s18], [sflag:$0x2] =	stream.indirect.gather [hbm4b:s2+s17], $0x40, s28, s17, $0xb8;
	[tilespmem:$0x13000] =	vst v63  }
0x3b: {  	_ =	swait.ge [sflag:s19], $0x2000  }
0x3c: {  	[sflag:s19] =	ssyncset.done $0x0  }
0x3d: {  	s29 =	simm.s32 $0x2800;
	[sflag:s19] =	ssyncadd.s32 $0xFFFFE000  }
0x3e: {  	[spmem:s3] =	stream.indirect.scatter.add.f32 [tilespmem:s14], [sflag:$0x3], $0x40, s29, s17, $0xb8;
	[tilespmem:$0x13000] =	vst v63  }
0x3f: {  	_ =	swait.ge [sflag:s15], $0x2000  }
0x40: {  	[sflag:s15] =	ssyncset.done $0x0  }
0x41: {  	s30 =	simm.s32 $0x100;
	[sflag:s15] =	ssyncadd.s32 $0xFFFFE000  }
0x42: {  	[tilespmem:s14], [sflag:$0x1] =	stream.indirect.gather [hbm4b:s2+s17], $0x40, s30, s17, $0xb8;
	[tilespmem:$0x13000] =	vst v63  }
0x43: {  	_ =	swait.ge [sflag:s20], $0x2000  }
0x44: {  	[sflag:s20] =	ssyncset.done $0x0  }
0x45: {  	s31 =	simm.s32 $0x2880;
	[sflag:s20] =	ssyncadd.s32 $0xFFFFE000  }
0x46: {  	[spmem:s3] =	stream.indirect.scatter.add.f32 [tilespmem:s18], [sflag:$0x3], $0x40, s31, s17, $0xb8;
	[tilespmem:$0x13000] =	vst v63  }
0x47: {  	_ =	swait.ge [sflag:s15], $0x2000  }
0x48: {  	s25 =	simm.s32 $0x800;
	s24 =	simm.s32 $0x100;
	[sflag:s15] =	ssyncset.done $0x0  }
.LBB2_4:
0x49: {  	s26 =	sadd.s32 $0x80, s24  }
0x4a: {  	[sflag:s15] =	ssyncadd.s32 $0xFFFFE000;
	s28 =	smov.u32 s25;
	s29 =	sadd.s32 $0x400, s25  }
0x4b: {  	[tilespmem:s18], [sflag:$0x2] =	stream.indirect.gather [hbm4b:s2+s17], $0x40, s26, s17, $0xb8;
	[tilespmem:$0x13000] =	vst v63  }
0x4c: {  	p0 =	sne.s32 s25, $0x9800;
	_ =	swait.ge [sflag:s19], $0x2000  }
0x4d: {  	[sflag:s19] =	ssyncset.done $0x0  }
0x4e: {  	s25 =	sadd.s32 $0x2800, s24;
	[sflag:s19] =	ssyncadd.s32 $0xFFFFE000  }
0x4f: {  	[spmem:s3] =	stream.indirect.scatter.add.f32 [tilespmem:s14], [sflag:$0x3], $0x40, s25, s17, $0xb8;
	[tilespmem:$0x13000] =	vst v63  }
0x50: {  	_ =	swait.ge [sflag:s15], $0x2000  }
0x51: {  	[sflag:s15] =	ssyncset.done $0x0  }
0x52: {  	s25 =	sadd.s32 $0x100, s24;
	[sflag:s15] =	ssyncadd.s32 $0xFFFFE000  }
0x53: {  	[tilespmem:s14], [sflag:$0x1] =	stream.indirect.gather [hbm4b:s2+s17], $0x40, s25, s17, $0xb8;
	[tilespmem:$0x13000] =	vst v63  }
0x54: {  	_ =	swait.ge [sflag:s20], $0x2000  }
.Ltmp1:
0x55: {  	[sflag:s20] =	ssyncset.done $0x0;
	(pc) =	sbr.rel @p0 .LBB2_4-.Ltmp1, $4  }
0x56: {  	s24 =	sadd.s32 $0x2880, s24;
	[sflag:s20] =	ssyncadd.s32 $0xFFFFE000  }
0x57: {  	[spmem:s3] =	stream.indirect.scatter.add.f32 [tilespmem:s18], [sflag:$0x3], $0x40, s24, s17, $0xb8;
	[tilespmem:$0x13000] =	vst v63  }
0x58: {  	_ =	swait.ge [sflag:s15], $0x2000  }
0x59: {  	s25 =	smov.u32 s29;
	s24 =	sshra.s32 s28, $0x2;
	[sflag:s15] =	ssyncset.done $0x0  }
0x5a: {  	s25 =	sadd.s32 $0x80, s24;
	[sflag:s15] =	ssyncadd.s32 $0xFFFFE000  }
0x5b: {  	[tilespmem:s18], [sflag:$0x2] =	stream.indirect.gather [hbm4b:s2+s17], $0x40, s25, s17, $0xb8;
	[tilespmem:$0x13000] =	vst v63  }
0x5c: {  	_ =	swait.ge [sflag:s19], $0x2000  }
0x5d: {  	[sflag:s19] =	ssyncset.done $0x0  }
0x5e: {  	s26 =	sadd.s32 $0x2800, s24;
	[sflag:s19] =	ssyncadd.s32 $0xFFFFE000  }
0x5f: {  	[spmem:s3] =	stream.indirect.scatter.add.f32 [tilespmem:s14], [sflag:$0x3], $0x40, s26, s17, $0xb8;
	[tilespmem:$0x13000] =	vst v63  }
0x60: {  	_ =	swait.ge [sflag:s15], $0x2000  }
0x61: {  	[sflag:s15] =	ssyncset.done $0x0  }
0x62: {  	s28 =	sadd.s32 $0x100, s24;
	[sflag:s15] =	ssyncadd.s32 $0xFFFFE000  }
0x63: {  	[tilespmem:s14], [sflag:$0x1] =	stream.indirect.gather [hbm4b:s2+s17], $0x40, s28, s17, $0xb8;
	[tilespmem:$0x13000] =	vst v63  }
0x64: {  	_ =	swait.ge [sflag:s20], $0x2000  }
0x65: {  	[sflag:s20] =	ssyncset.done $0x0  }
0x66: {  	s29 =	sadd.s32 $0x2880, s24;
	[sflag:s20] =	ssyncadd.s32 $0xFFFFE000  }
0x67: {  	[spmem:s3] =	stream.indirect.scatter.add.f32 [tilespmem:s18], [sflag:$0x3], $0x40, s29, s17, $0xb8;
	[tilespmem:$0x13000] =	vst v63  }
0x68: {  	_ =	swait.ge [sflag:s15], $0x2000  }
0x69: {  	[sflag:s15] =	ssyncset.done $0x0  }
0x6a: {  	[sflag:s15] =	ssyncadd.s32 $0xFFFFE000  }
0x6b: {  	[tilespmem:s18], [sflag:$0x2] =	stream.indirect.gather [hbm4b:s2+s17], $0x40, s21, s17, $0xb8;
	[tilespmem:$0x13000] =	vst v63  }
0x6c: {  	_ =	swait.ge [sflag:s19], $0x2000  }
0x6d: {  	[sflag:s19] =	ssyncset.done $0x0  }
0x6e: {  	[sflag:s19] =	ssyncadd.s32 $0xFFFFE000  }
0x6f: {  	[spmem:s3] =	stream.indirect.scatter.add.f32 [tilespmem:s14], [sflag:$0x3], $0x40, s22, s17, $0xb8;
	[tilespmem:$0x13000] =	vst v63  }
0x70: {  	_ =	swait.ge [sflag:s15], $0x2000  }
0x71: {  	[sflag:s15] =	ssyncset.done $0x0  }
0x72: {  	[sflag:s15] =	ssyncadd.s32 $0xFFFFE000  }
0x73: {  	_ =	swait.ge [sflag:s20], $0x2000  }
0x74: {  	[sflag:s20] =	ssyncset.done $0x0  }
0x75: {  	[sflag:s20] =	ssyncadd.s32 $0xFFFFE000  }
0x76: {  	[spmem:s3] =	stream.indirect.scatter.add.f32 [tilespmem:s18], [sflag:$0x3], $0x40, s23, s17, $0xb8;
	[tilespmem:$0x13000] =	vst v63  }
0x77: {  	_ =	swait.ge [sflag:s15], $0x2000  }
0x78: {  	s30 =	sshll.u32 s1, $0x6;
	s4 =	sadd.s32 $0x1, s4;
	[sflag:s15] =	ssyncset.done $0x0  }
0x79: {  	s31 =	sshrl.u32 s5, $0x3;
	p0 =	sne.s32 s4, s13;
	[sflag:s15] =	ssyncadd.s32 $0xFFFFE000  }
.Ltmp2:
0x7a: {  	s24 =	sor.u32 $0x1C03, s30;
	[bflag:$0x0] =	sbarrier.arrive $0xFFFF;
	(pc) =	sbr.rel @p0 .LBB2_1-.Ltmp2, $4  }
0x7b: {  	[hbm:s12], [sflag:s24] =	dma.local [spmem:s31], $0x1400  }
0x7c: {  	_ =	swait.ge [sflag:s15], $0x1400  }
0x7d: {  	[sflag:s15] =	ssyncset.done $0x0  }
0x7e: {  	[sflag:s15] =	ssyncadd.s32 $0xFFFFEC00  }
0x7f: {  	_ =	sfence.sel $0x180000  }
0x80: {  	[bflag:$0x0] =	sbarrier.arrive $0xFFFF  }
0x81: {  	p0 =	sne.s32 s1, $0x0;
	_ =	strace $0x9000004D  }
0x82: {  	s0 =	sadd.s32 @!p0 $0x100000, s0;
	[bflag:$0x2] =	sbarrier.arrive $0xFFFF  }
0x83: {  	[sflag:s0] =	ssyncadd.tile.s32 @!p0 $0x1;
	_ =	shalt  }
.Lfunc_end2:
_tile_overlayer_lowered:
.L_overlay_start_2:
0x84: {  	(tag) =	ssettag $0x2  }
0x85: {  	s0 =	rddreg [dreg:$0x0];
	s2 =	stileid.u32  }
0x86: {  	s1 =	rddreg [dreg:$0x1];
	p0 =	sne.s32 s2, $0x0  }
0x87: {  	s3 =	rddreg [dreg:$0x2];
	[bflag:$0x3] =	sbarrier.arrive $0xFFFF;
	s2 =	simm.s32 @!p0 $0x1C03  }
0x88: {  	[timem:s3], [sflag:s2] =	dma.local @!p0 [hbm:s0], s1  }
0x89: {  	s0 =	simm.s32 @!p0 $0x3  }
0x8a: {  	_ =	swait.ge @!p0 [sflag:s0], s1  }
0x8b: {  	s1 =	ssub.s32 @!p0 $0x0, s1;
	[sflag:s0] =	ssyncset.done @!p0 $0x0  }
0x8c: {  	[sflag:s0] =	ssyncadd.s32 @!p0 s1  }
0x8d: {  	[bflag:$0x3] =	sbarrier.arrive $0xFFFF  }
0x8e: {  	_ =	shalt  }

// kernel: kernel.8.cloned.1.call-start
scs
__scs_entry_jumppad:
0x0: {  	(pc) =	sbr.rel $0x88, $3  }
0x1: {  	(tag) =	ssettag $0x0;
	lr =	simm.s32 $0x1  }
0x2: {  	[smem:$0x3F99] =	sst lr;
	_ =	strace $0xD0000000  }
0x3: {  	_ = 	snop  }
0x4: {  	_ = 	snop  }
0x5: {  	_ = 	snop  }
0x6: {  	_ = 	snop  }
0x7: {  	_ = 	snop  }
__scs_overlays_trampoline_lowered:
0x8: {  	[smem:$0x3FA8] =	sst s0  }
0x9: {  	[smem:$0x3FA9] =	sst s1  }
0xa: {  	[smem:$0x3FAA] =	sst s2  }
0xb: {  	[smem:$0x3FAB] =	sst s3  }
0xc: {  	[smem:$0x3FAC] =	sst s4  }
0xd: {  	[smem:$0x3FAD] =	sst s5  }
0xe: {  	[smem:$0x3FAE] =	sst s6  }
0xf: {  	[smem:$0x3FAF] =	sst s7  }
0x10: {  	[smem:$0x3FB0] =	sst s8  }
0x11: {  	[smem:$0x3FB1] =	sst s9;
	s0 =	simm.s32 @!p0 $0x0  }
0x12: {  	s1 =	sld [smem:$0x3F97];
	s0 =	simm.s32 @p0 $0x1  }
0x13: {  	[smem:$0x3FB2] =	sst s0;
	s0 =	simm.s32 @!p1 $0x0  }
0x14: {  	s2 =	sld [smem:$0x3F96];
	s0 =	simm.s32 @p1 $0x1  }
0x15: {  	[smem:$0x3FB3] =	sst s0;
	s0 =	simm.s32 @!p2 $0x0  }
0x16: {  	s3 =	sld [smem:$0x3FDB];
	s0 =	simm.s32 @p2 $0x1  }
0x17: {  	s4 =	simm.s32 $0x1BF5;
	[smem:$0x3FB5] =	sst s0  }
0x18: {  	s0 =	sld [smem:$0x3F98];
	_ =	swait.ge [sflag:s4], $0x0  }
0x19: {  	s7 =	sld [smem:$0x3F99]  }
0x1a: {  	s8 =	sadd.s32 $0xFFFFE003, lr  }
0x1b: {  	s9 =	sadd.s32 $0xFFFFFEF7, lr;
	s5 =	simm.s32 $0xFFFFFFFF;
	p2 =	slt.u32 s8, $0xFFFFF086  }
0x1c: {  	p1 =	slt.u32 s9, $0xF7A;
	s5 =	simm.s32 @!p2 $0x0  }
0x1d: {  	s5 =	simm.s32 @p1 $0x1;
	p0 =	seq.s32 s7, s2  }
0x1e: {  	s7 =	smul.u32 @!p0 $0xF7A, s2;
	p2 =	seq.s32 @!p0 s5, $0x0  }
0x1f: {  	s9 =	smul.u32 $0xF7A, s1;
	s8 =	simm.s32 @!p0 $0x1BF5;
	p2 =	por !p2, p0  }
0x20: {  	[sflag:s8] =	ssyncset.s32 @!p0 $0xFFFFF086;
	s6 =	sadd.s32 @!p0 s3, s7;
	s7 =	simm.s32 @!p0 $0x108  }
0x21: {  	s3 =	sadd.s32 s3, s9;
	s6 =	sadd.s32 @!p0 $0x88, s6;
	s7 =	simm.s32 @p2 $0x1082  }
0x22: {  	[simem:s7], [sflag:s8] =	dma.local @!p0 [hbm:s6], $0xF7A  }
0x23: {  	s9 =	sor.u32 $0xD0000000, s2;
	s6 =	simm.s32 $0x108;
	_ =	swait.ge @!p0 [sflag:s8], $0x0  }
0x24: {  	s3 =	sadd.s32 $0x88, s3;
	s6 =	simm.s32 @!p1 $0x1082;
	[sflag:s4] =	ssyncset.s32 $0xFFFFF086  }
0x25: {  	[simem:s6], [sflag:s4] =	dma.local [hbm:s3], $0xF7A  }
0x26: {  	[smem:$0x3F99] =	sst s1;
	(tag) =	ssettag s2;
	_ =	strace s9  }
0x27: {  	s1 =	sld [smem:$0x3FA9]  }
0x28: {  	s2 =	sld [smem:$0x3FAA]  }
0x29: {  	s4 =	sld [smem:$0x3FAC]  }
0x2a: {  	p0 =	seq.s32 s5, $0x0;
	s5 =	sld [smem:$0x3FAD]  }
0x2b: {  	s6 =	sld [smem:$0x3FAE]  }
0x2c: {  	s7 =	sld [smem:$0x3FAF]  }
0x2d: {  	s3 =	simm.s32 $0x108;
	s8 =	sld [smem:$0x3FB0]  }
0x2e: {  	s3 =	simm.s32 @!p0 $0x1082;
	s9 =	sld [smem:$0x3FB1]  }
0x2f: {  	lr =	sadd.s32 s0, s3;
	s0 =	sld [smem:$0x3FA8]  }
0x30: {  	s3 =	sld [smem:$0x3FAB]  }
0x31: {  	[smem:$0x3FB4] =	sst s10  }
0x32: {  	s10 =	sld [smem:$0x3FB2];
	_ =	sdelay $0x3  }
0x33: {  	p0 =	seq.s32 s10, $0x1;
	s10 =	sld [smem:$0x3FB4];
	_ =	sdelay $0x3  }
0x34: {  	[smem:$0x3FB4] =	sst s10  }
0x35: {  	s10 =	sld [smem:$0x3FB3];
	_ =	sdelay $0x3  }
0x36: {  	p1 =	seq.s32 s10, $0x1;
	s10 =	sld [smem:$0x3FB4];
	_ =	sdelay $0x3  }
0x37: {  	[smem:$0x3FB4] =	sst s10  }
0x38: {  	s10 =	sld [smem:$0x3FB5]  }
0x39: {  	_ = 	snop;
	(pc) =	sbr.ind lr, $3  }
0x3a: {  	_ = 	snop  }
0x3b: {  	_ = 	snop  }
0x3c: {  	p2 =	seq.s32 s10, $0x1;
	s10 =	sld [smem:$0x3FB4]  }
0x3d: {  	_ =	shalt  }
0x3e: {  	_ =	shalt  }
0x3f: {  	_ =	shalt  }
0x40: {  	_ =	shalt  }
0x41: {  	_ =	shalt  }
0x42: {  	_ =	shalt  }
0x43: {  	_ =	shalt  }
0x44: {  	_ =	shalt  }
0x45: {  	_ =	shalt  }
0x46: {  	_ =	shalt  }
0x47: {  	_ =	shalt  }
0x48: {  	_ =	shalt  }
0x49: {  	_ =	shalt  }
0x4a: {  	_ =	shalt  }
0x4b: {  	_ =	shalt  }
0x4c: {  	_ =	shalt  }
0x4d: {  	_ =	shalt  }
0x4e: {  	_ =	shalt  }
0x4f: {  	_ =	shalt  }
0x50: {  	_ =	shalt  }
0x51: {  	_ =	shalt  }
0x52: {  	_ =	shalt  }
0x53: {  	_ =	shalt  }
0x54: {  	_ =	shalt  }
0x55: {  	_ =	shalt  }
0x56: {  	_ =	shalt  }
0x57: {  	_ =	shalt  }
0x58: {  	_ =	shalt  }
0x59: {  	_ =	shalt  }
0x5a: {  	_ =	shalt  }
0x5b: {  	_ =	shalt  }
0x5c: {  	_ =	shalt  }
0x5d: {  	_ =	shalt  }
0x5e: {  	_ =	shalt  }
0x5f: {  	_ =	shalt  }
0x60: {  	_ =	shalt  }
0x61: {  	_ =	shalt  }
0x62: {  	_ =	shalt  }
0x63: {  	_ =	shalt  }
0x64: {  	_ =	shalt  }
0x65: {  	_ =	shalt  }
0x66: {  	_ =	shalt  }
0x67: {  	_ =	shalt  }
0x68: {  	_ =	shalt  }
0x69: {  	_ =	shalt  }
0x6a: {  	_ =	shalt  }
0x6b: {  	_ =	shalt  }
0x6c: {  	_ =	shalt  }
0x6d: {  	_ =	shalt  }
0x6e: {  	_ =	shalt  }
0x6f: {  	_ =	shalt  }
0x70: {  	_ =	shalt  }
0x71: {  	_ =	shalt  }
0x72: {  	_ =	shalt  }
0x73: {  	_ =	shalt  }
0x74: {  	_ =	shalt  }
0x75: {  	_ =	shalt  }
0x76: {  	_ =	shalt  }
0x77: {  	_ =	shalt  }
0x78: {  	_ =	shalt  }
0x79: {  	_ =	shalt  }
0x7a: {  	_ =	shalt  }
0x7b: {  	_ =	shalt  }
0x7c: {  	_ =	shalt  }
0x7d: {  	_ =	shalt  }
0x7e: {  	_ =	shalt  }
0x7f: {  	_ =	shalt  }
0x80: {  	_ =	shalt  }
0x81: {  	_ =	shalt  }
0x82: {  	_ =	shalt  }
0x83: {  	_ =	shalt  }
0x84: {  	_ =	shalt  }
0x85: {  	_ =	shalt  }
0x86: {  	_ =	shalt  }
0x87: {  	_ =	shalt  }
.Lfunc_end0:
.L_simem_size_0:
called_computation_lowered:
.L_overlay_start_0:
0x88: {  	s2 =	sld [smem:$0x3FD9]  }
0x89: {  	s3 =	sld [smem:$0x3FFE];
	_ =	sdelay $0x1  }
0x8a: {  	s1 =	srdreg.scid  }
0x8b: {  	s0 =	sand.u32 $0x1, s1  }
0x8c: {  	s17 =	sshll.u32 s0, $0xA;
	s2 =	sadd.s32 s3, s2  }
0x8d: {  	s2 =	sadd.s32 s2, s17  }
0x8e: {  	[smem:$0x3FC0] =	sst s2  }
0x8f: {  	_ = 	snop  }
0x90: {  	s2 =	sld [smem:$0x3FD0];
	(tm) =	ssettm $0x1  }
0x91: {  	s18 =	sld [smem:$0x3FFB];
	_ =	sdelay $0x3  }
0x92: {  	_ =	strace s18  }
0x93: {  	s3 =	sld [smem:$0x3FFC];
	_ =	sdelay $0x3  }
0x94: {  	_ =	strace s3  }
0x95: {  	s3 =	sld [smem:$0x3FFD];
	_ =	sdelay $0x3  }
0x96: {  	_ =	strace s3  }
0x97: {  	_ =	strace $0x8FFFFFFF  }
0x98: {  	s19 =	sld [smem:$0x3FDB];
	_ =	sdelay $0x1  }
0x99: {  	s4 =	simm.s32 $_scs_section_size  }
0x9a: {  	s5 =	simm.s32 $_size__tile_overlayer_lowered;
	s6 =	simm.s32 $_tile_overlayer_lowered  }
0x9b: {  	s22 =	simm.s32 $0x1BFF;
	s21 =	sshll.u32 s6, $0x1;
	s3 =	sadd.s32 s4, s19  }
0x9c: {  	s7 =	simm.s32 $0x0;
	s20 =	sshll.u32 s5, $0x1;
	s5 =	sadd.s32 s21, s3  }
0x9d: {  	[timem:s7], [sflag:s22] =	dma.local [hbm:s5], s20  }
0x9e: {  	_ =	swait.ge [sflag:s22], s20  }
0x9f: {  	s4 =	ssub.s32 $0x0, s20;
	[sflag:s22] =	ssyncset.done $0x0  }
0xa0: {  	[sflag:s22] =	ssyncadd.s32 s4;
	_ =	sdelay $0x1  }
0xa1: {  	s23 =	simm.s32 $0x1B8B  }
0xa2: {  	_ =	swait.ge [sflag:s23], $0x1  }
0xa3: {  	[sflag:s23] =	ssyncset.done $0x0  }
0xa4: {  	s25 =	simm.s32 $0x1B8E;
	s24 =	sld [smem:$0x3FFE];
	[sflag:s23] =	ssyncadd.s32 $0xFFFFFFFF  }
0xa5: {  	s26 =	simm.s32 $execute0_lowered;
	[smem:$0x3FD2] =	sst s25  }
0xa6: {  	s5 =	sshll.u32 s26, $0x1;
	_ =	strace $0x80000046;
	[dreg:$0x1] =	wrdreg $0xFFFFFFFF  }
0xa7: {  	s28 =	simm.s32 $_size_execute0_lowered;
	s3 =	sadd.s32 s3, s5;
	[dreg:$0x0] =	wrdreg $0x0  }
0xa8: {  	s5 =	sshll.u32 s28, $0x1;
	[dreg:$0x2] =	wrdreg s3  }
0xa9: {  	[dreg:$0x3] =	wrdreg s5  }
0xaa: {  	[dreg:$0x4] =	wrdreg $0xC0  }
0xab: {  	_ =	task [dreg:s7], $0x5FFFF  }
0xac: {  	[dreg:$0x1] =	wrdreg $0xFFFFFFFF  }
0xad: {  	[dreg:$0x0] =	wrdreg $0x60  }
0xae: {  	[dreg:$0x2] =	wrdreg s24  }
0xaf: {  	[dreg:$0x3] =	wrdreg s2  }
0xb0: {  	[dreg:$0x4] =	wrdreg $0x2B000  }
0xb1: {  	[dreg:$0x5] =	wrdreg $0x9  }
0xb2: {  	_ =	task.clear_ibuf [dreg:s7], $0x6FFFF;
	_ =	strace $0x90000046  }
0xb3: {  	s29 =	simm.s32 $0x9;
	_ =	strace $0x80000048  }
0xb4: {  	_ =	swait.ge [sflag:s29], $0x1  }
0xb5: {  	[sflag:s29] =	ssyncadd.s32 $0xFFFFFFFF  }
0xb6: {  	_ =	strace $0x90000048  }
0xb7: {  	_ =	sfence  }
0xb8: {  	s30 =	sld [smem:$0x0];
	_ =	sdelay $0x2  }
0xb9: {  	s31 =	sshll.u32 s1, $0xD;
	s1 =	sshrl.u32 s1, $0x2  }
0xba: {  	s3 =	sand.u32 $0x4000, s31;
	s1 =	sadd.s32 s1, s30  }
0xbb: {  	s0 =	sor.u32 s3, s0;
	s1 =	sshll.u32 s1, $0x11  }
0xbc: {  	s0 =	sor.u32 s1, s0  }
0xbd: {  	s0 =	sadd.s32 $0x8F2B, s0  }
0xbe: {  	[sflag:s0] =	ssyncadd.remote.s32 $0x1  }
0xbf: {  	_ =	sfence.sel $0xFFFF  }
0xc0: {  	[dreg:$0x0] =	wrdreg $0xFFFFFFFF;
	(pc) =	sbr.abs _section_cstart, $3  }
0xc1: {  	[dreg:$0x1] =	wrdreg $0xFFFFFFFF  }
0xc2: {  	_ =	task.clear_ibuf [dreg:s7], $0x2FFFF;
	_ =	strace $0x9FFFFFFF  }
0xc3: {  	(tm) =	ssettm $0x7FFFFFFF  }
tec
execute0_lowered:
.L_overlay_start_1:
0x0: {  	(tag) =	ssettag $0x1  }
0x1: {  	s5 =	rddreg [dreg:$0x0]  }
0x2: {  	s0 =	srdreg.scid;
	s7 =	rddreg [dreg:$0x1]  }
0x3: {  	s2 =	rddreg [dreg:$0x2];
	s3 =	simm.s32 $0x0;
	s12 =	simm.s32 $0x2800  }
0x4: {  	s15 =	simm.s32 $0x0;
	s4 =	sand.u32 $0x1, s0;
	s0 =	stileid.u32  }
0x5: {  	[smem:$0x7FF] =	sst s3;
	s1 =	sshll.u32 s4, $0x4;
	s9 =	smul.u32 $0x280, s0  }
0x6: {  	s10 =	ssub.s32 $0x2, s4;
	s11 =	smul.u32 $0x2800, s4;
	s13 =	sshll.u32 s0, $0x6  }
0x7: {  	s6 =	sor.u32 s0, s1;
	s1 =	rddreg [dreg:$0x3];
	_ =	strace $0x80000047  }
0x8: {  	s31 =	sshrl.u32 s10, $0x1;
	s13 =	sor.u32 $0x1C01, s13;
	s8 =	smul.u32 $0x500, s6  }
0x9: {  	s10 =	ssub.s32 s10, s31;
	s4 =	sadd.s32 s9, s2;
	s9 =	sadd.s32 s9, s11  }
0xa: {  	p0 =	seq.s32 s6, $0x1F;
	s11 =	simm.s32 $0x80;
	s9 =	sshrl.u32 s9, $0x3  }
0xb: {  	s14 =	sshrl.u32 s4, $0x3;
	s8 =	sadd.s32 s8, s5;
	s5 =	simm.s32 $0x14  }
0xc: {  	s7 =	sadd.s32 s7, s9;
	s9 =	simm.s32 $0x2880;
	s6 =	sadd.s32 $0xCA00, s8  }
0xd: {  	v0 =	vimm.f32 $1.000000000e+00;
	v1 =	vimm.f32 $0.0e+00;
	s5 =	simm.s32 @!p0 $0x50;
	s8 =	smax.u32 s10, $0x1;
	s10 =	simm.s32 $0x1  }
.LBB2_1:
0xe: {  	[tilespmem:$0x2800] =	vst v0  }
0xf: {  	[tilespmem:$0x2810] =	vst v0  }
0x10: {  	[tilespmem:$0x2820] =	vst v0  }
0x11: {  	[tilespmem:$0x2830] =	vst v0  }
0x12: {  	[tilespmem:$0x2840] =	vst v0  }
0x13: {  	[tilespmem:$0x2850] =	vst v0  }
0x14: {  	[tilespmem:$0x2860] =	vst v0  }
0x15: {  	[tilespmem:$0x2870] =	vst v0  }
0x16: {  	[tilespmem:$0x2880] =	vst v1  }
0x17: {  	[tilespmem:$0x2890] =	vst v1  }
0x18: {  	[tilespmem:$0x28A0] =	vst v1  }
0x19: {  	[tilespmem:$0x28B0] =	vst v1  }
0x1a: {  	[tilespmem:$0x28C0] =	vst v1  }
0x1b: {  	[tilespmem:$0x28D0] =	vst v1  }
0x1c: {  	[tilespmem:$0x28E0] =	vst v1  }
0x1d: {  	[tilespmem:$0x28F0] =	vst v1  }
0x1e: {  	[tilespmem:$0x2900] =	vst v1  }
0x1f: {  	[tilespmem:$0x2910] =	vst v1  }
0x20: {  	[tilespmem:$0x2920] =	vst v1  }
0x21: {  	[tilespmem:$0x2930] =	vst v1  }
0x22: {  	[tilespmem:$0x2940] =	vst v1  }
0x23: {  	[tilespmem:$0x2950] =	vst v1  }
0x24: {  	[tilespmem:$0x2960] =	vst v1  }
0x25: {  	[tilespmem:$0x2970] =	vst v1  }
0x26: {  	[tilespmem:$0x2980] =	vst v1  }
0x27: {  	[tilespmem:$0x2990] =	vst v1  }
0x28: {  	[tilespmem:$0x29A0] =	vst v1  }
0x29: {  	[tilespmem:$0x29B0] =	vst v1  }
0x2a: {  	[tilespmem:$0x29C0] =	vst v1  }
0x2b: {  	[tilespmem:$0x29D0] =	vst v1  }
0x2c: {  	[tilespmem:$0x29E0] =	vst v1  }
0x2d: {  	[tilespmem:$0x29F0] =	vst v1  }
0x2e: {  	[tilespmem:$0x2A00] =	vst v1  }
0x2f: {  	[tilespmem:$0x2A10] =	vst v1  }
0x30: {  	[tilespmem:$0x2A20] =	vst v1  }
0x31: {  	[tilespmem:$0x2A30] =	vst v1  }
0x32: {  	[tilespmem:$0x2A40] =	vst v1  }
0x33: {  	[tilespmem:$0x2A50] =	vst v1  }
0x34: {  	[tilespmem:$0x2A60] =	vst v1  }
0x35: {  	[tilespmem:$0x2A70] =	vst v1  }
0x36: {  	[tilespmem:$0x2A80] =	vst v1  }
0x37: {  	[tilespmem:$0x2A90] =	vst v1  }
0x38: {  	[tilespmem:$0x2AA0] =	vst v1  }
0x39: {  	[tilespmem:$0x2AB0] =	vst v1  }
0x3a: {  	[tilespmem:$0x2AC0] =	vst v1  }
0x3b: {  	[tilespmem:$0x2AD0] =	vst v1  }
0x3c: {  	[tilespmem:$0x2AE0] =	vst v1  }
0x3d: {  	[tilespmem:$0x2AF0] =	vst v1  }
0x3e: {  	[spmem:s4] =	stream.linear.scatter [tilespmem:s9], [sflag:$0x1], $0x280, $0x38;
	[tilespmem:$0x2D80] =	vst v63  }
0x3f: {  	_ =	swait.ge [sflag:s10], $0x280  }
0x40: {  	[sflag:s10] =	ssyncset.done $0x0  }
0x41: {  	[sflag:s10] =	ssyncadd.s32 $0xFFFFFD80  }
0x42: {  	[bflag:$0x0] =	sbarrier.arrive $0xFFFF  }
0x43: {  	[tilespmem:s3], [sflag:$0x1] =	stream.linear.gather [hbm4b:s6+s3], $0x2800, $0x38;
	[tilespmem:$0x2D80] =	vst v63  }
0x44: {  	p0 =	sne.s32 s5, $0x1;
	_ =	swait.ge [sflag:s10], $0x2800  }
.Ltmp0:
0x45: {  	[sflag:s10] =	ssyncset.done $0x0;
	(pc) =	sbr.rel @!p0 .LBB2_3-.Ltmp0, $4  }
0x46: {  	[sflag:s10] =	ssyncadd.s32 $0xFFFFD800  }
0x47: {  	[spmem:s2] =	stream.indirect.scatter.add.f32 [tilespmem:s12], [sflag:$0x1], $0x1, s3, s11, $0xb8;
	[tilespmem:$0x2D80] =	vst v63  }
0x48: {  	_ =	swait.ge [sflag:s10], $0x80  }
0x49: {  	s16 =	sadd.s32 $0xFFFFFFFF, s5;
	s17 =	simm.s32 $0x0;
	[sflag:s10] =	ssyncset.done $0x0  }
.LBB2_2:
0x4a: {  	p0 =	sne.s32 s16, $0x1;
	[sflag:s10] =	ssyncadd.s32 $0xFFFFFF80;
	s17 =	sadd.s32 $0x80, s17  }
.Ltmp1:
0x4b: {  	s16 =	sadd.s32 $0xFFFFFFFF, s16;
	(pc) =	sbr.rel @p0 .LBB2_2-.Ltmp1, $4  }
0x4c: {  	_ = 	snop  }
0x4d: {  	[spmem:s2] =	stream.indirect.scatter.add.f32 [tilespmem:s12], [sflag:$0x1], $0x1, s17, s11, $0xb8;
	[tilespmem:$0x2D80] =	vst v63  }
0x4e: {  	_ =	swait.ge [sflag:s10], $0x80  }
0x4f: {  	[sflag:s10] =	ssyncset.done $0x0  }
.LBB2_3:
0x50: {  	s15 =	sadd.s32 $0x1, s15  }
0x51: {  	[sflag:s10] =	ssyncadd.s32 $0xFFFFFF80;
	p0 =	sne.s32 s15, s8  }
.Ltmp2:
0x52: {  	[bflag:$0x0] =	sbarrier.arrive $0xFFFF;
	(pc) =	sbr.rel @p0 .LBB2_1-.Ltmp2, $4  }
0x53: {  	[hbm:s7], [sflag:s13] =	dma.local [spmem:s14], $0x50  }
0x54: {  	_ =	swait.ge [sflag:s10], $0x50  }
0x55: {  	[sflag:s10] =	ssyncset.done $0x0  }
0x56: {  	[sflag:s10] =	ssyncadd.s32 $0xFFFFFFB0  }
0x57: {  	_ =	sfence.sel $0x180000  }
0x58: {  	[bflag:$0x0] =	sbarrier.arrive $0xFFFF  }
0x59: {  	p0 =	sne.s32 s0, $0x0;
	_ =	strace $0x90000047  }
0x5a: {  	s0 =	sadd.s32 @!p0 $0x100000, s1;
	[bflag:$0x2] =	sbarrier.arrive $0xFFFF  }
0x5b: {  	[sflag:s0] =	ssyncadd.tile.s32 @!p0 $0x1;
	_ =	shalt  }
.Lfunc_end2:
_tile_overlayer_lowered:
.L_overlay_start_2:
0x5c: {  	(tag) =	ssettag $0x2  }
0x5d: {  	s0 =	rddreg [dreg:$0x0];
	s2 =	stileid.u32  }
0x5e: {  	s1 =	rddreg [dreg:$0x1];
	p0 =	sne.s32 s2, $0x0  }
0x5f: {  	s3 =	rddreg [dreg:$0x2];
	[bflag:$0x3] =	sbarrier.arrive $0xFFFF;
	s2 =	simm.s32 @!p0 $0x1C01  }
0x60: {  	[timem:s3], [sflag:s2] =	dma.local @!p0 [hbm:s0], s1  }
0x61: {  	s0 =	simm.s32 @!p0 $0x1  }
0x62: {  	_ =	swait.ge @!p0 [sflag:s0], s1  }
0x63: {  	s1 =	ssub.s32 @!p0 $0x0, s1;
	[sflag:s0] =	ssyncset.done @!p0 $0x0  }
0x64: {  	[sflag:s0] =	ssyncadd.s32 @!p0 s1  }
0x65: {  	[bflag:$0x3] =	sbarrier.arrive $0xFFFF  }
0x66: {  	_ =	shalt  }

</sc_bundles>
